<compile_context>
chip_gen: v7x
topology: tpu7x:2x2x1
jax: 0.10.2.dev20260603
libtpu: 0.0.44.dev20260713+nightly
codegen_flags: <defaults>
</compile_context>

<pallas_src>
import dataclasses
import functools

import jax
import jax.numpy as jnp
from jax import lax
from jax.experimental import pallas as pl
from jax.experimental.pallas import tpu as pltpu
from jax.experimental.pallas import tpu_sc as plsc

_CLS = 1000
_SMOOTH = 0.1
_CONF = 1.0 - _SMOOTH
_OFF = _SMOOTH / (_CLS - 1)
_RAND = 2048
_N = 16384
_BQ = 2048
_NSTEP = _N // _BQ
_NPRED = _N - _RAND

_BASE_PRED = _OFF / _NPRED
_BASE_RAND = 1.0 / (_CLS * _RAND)
_DELTA_PRED = (_CONF - _OFF) / _NPRED

_NC = 2
_NS = 16
_NW = _NC * _NS
_BW = _N // _NW
_GCH = 128
_NGC = _BW // _GCH


def _dense_block(x_ref, o_ref, s_ref):
    i = pl.program_id(0)
    x = x_ref[...]
    e = jnp.exp(x)
    s = jnp.sum(e, axis=0, keepdims=True)
    logq = jnp.log(e + 1e-5 * s)
    colsum = jnp.sum(logq, axis=0, keepdims=True)
    cols = i * _BQ + jax.lax.broadcasted_iota(jnp.int32, (1, _BQ), 1)
    base = jnp.where(cols < _NPRED, _BASE_PRED, _BASE_RAND)
    o_ref[0, 0, 0] = jnp.sum(base * (_CLS * jnp.log(s) - colsum))
    s_ref[...] = s


def _combine_block(g_ref, s_ref, o_ref):
    g = g_ref[...]
    s = s_ref[...]
    logq_t = jnp.log(jnp.exp(g) + 1e-5 * s)
    cols = jax.lax.broadcasted_iota(jnp.int32, (1, _N), 1)
    contrib = jnp.where(cols < _NPRED,
                        _DELTA_PRED * (jnp.log(s) - logq_t), 0.0)
    o_ref[0, 0] = jnp.sum(contrib)


def _sc_gather_body(x2_hbm, t_hbm, out_hbm, tv, lanev, gv,
                    w0, w1, w2, w3, r0, r1, r2, r3, sem):
    wrefs = (w0, w1, w2, w3)
    rrefs = (r0, r1, r2, r3)
    wid = lax.axis_index("s") * _NC + lax.axis_index("c")
    base = wid * _BW
    pltpu.sync_copy(t_hbm.at[pl.ds(base, _BW)], tv)
    lane16 = lax.iota(jnp.int32, 16)
    for j in range(_BW // 16):
        tj = tv[pl.ds(j * 16, 16)]
        col = (base + j * 16) + lane16
        flat = tj * _N + col
        wrefs[(j * 16) // _GCH][pl.ds((j * 16) % _GCH, 16)] = (
            lax.shift_right_logical(flat, 7))
        lanev[pl.ds(j * 16, 16)] = lax.bitwise_and(flat, 127)
    for k in range(_NGC):
        pltpu.make_async_copy(x2_hbm.at[wrefs[k]], rrefs[k], sem).start()
    for k in range(_NGC):
        pltpu.make_async_copy(x2_hbm.at[wrefs[k]], rrefs[k], sem).wait()
    for j in range(_BW // 16):
        k = (j * 16) // _GCH
        ridx = ((j * 16) % _GCH) + lane16
        lidx = lanev[pl.ds(j * 16, 16)]
        gv[pl.ds(j * 16, 16)] = plsc.load_gather(rrefs[k], [ridx, lidx])
    pltpu.sync_copy(gv, out_hbm.at[pl.ds(base, _BW)])


def _sc_gather(x2, t):
    cp = pltpu.CompilerParams()
    if "needs_layout_passes" in pltpu.CompilerParams.__dataclass_fields__:
        cp = dataclasses.replace(cp, needs_layout_passes=False)
    kern = functools.partial(
        pl.kernel,
        mesh=plsc.VectorSubcoreMesh(core_axis_name="c", subcore_axis_name="s"),
        compiler_params=cp,
        out_type=jax.ShapeDtypeStruct((_N,), jnp.float32),
        scratch_types=(
            [pltpu.VMEM((_BW,), jnp.int32),
             pltpu.VMEM((_BW,), jnp.int32),
             pltpu.VMEM((_BW,), jnp.float32)]
            + [pltpu.VMEM((_GCH,), jnp.int32) for _ in range(_NGC)]
            + [pltpu.VMEM((_GCH, 128), jnp.float32) for _ in range(_NGC)]
            + [pltpu.SemaphoreType.DMA]
        ),
    )(_sc_gather_body)
    return kern(x2, t)


def kernel(outputs, target, rand_size):
    xt = outputs.T
    x2 = xt.reshape(_N * _CLS // 128, 128)
    t1 = target.astype(jnp.int32)

    g = _sc_gather(x2, t1)

    partial, s_row = pl.pallas_call(
        _dense_block,
        grid=(_NSTEP,),
        in_specs=[pl.BlockSpec((_CLS, _BQ), lambda i: (0, i))],
        out_specs=[
            pl.BlockSpec((1, 1, 1), lambda i: (i, 0, 0),
                         memory_space=pltpu.SMEM),
            pl.BlockSpec((1, _BQ), lambda i: (0, i)),
        ],
        out_shape=[
            jax.ShapeDtypeStruct((_NSTEP, 1, 1), jnp.float32),
            jax.ShapeDtypeStruct((1, _N), jnp.float32),
        ],
        compiler_params=pltpu.CompilerParams(
            dimension_semantics=("parallel",)),
    )(xt)

    part2 = pl.pallas_call(
        _combine_block,
        out_specs=pl.BlockSpec(memory_space=pltpu.SMEM),
        out_shape=jax.ShapeDtypeStruct((1, 1), jnp.float32),
    )(g.reshape(1, _N), s_row)

    loss = jnp.sum(partial) + part2[0, 0]
    return loss + jnp.asarray(rand_size - _RAND, loss.dtype)

# --- scband reference (transcript-rebuilt; emitter-appended) ---
"""Pipeline reference for scband-rand-smoothing-loss-72808285602429 (READ-ONLY COPY).

The authoritative reference and input builder live on the scoring server;
editing this copy changes nothing except your own understanding.
"""

import jax, jax.numpy as jnp
import numpy as np

CLS = 1000
SMOOTHING = 0.1
CONFIDENCE = 1.0 - SMOOTHING
BETA = 1.0
RAND_SIZE = 2048


def setup_inputs(seed: int = 0) -> dict:
    key = jax.random.key(seed)
    k1, k2 = jax.random.split(key)
    outputs = jax.random.normal(k1, (16384, 1000), dtype=jnp.float32)
    target = jax.random.randint(k2, (16384,), 0, CLS, dtype=jnp.int64)
    return {"outputs": outputs, "target": target, "rand_size": 2048}


def reference(outputs, target, rand_size):
    # split into labeled predictions and random (uniform-target) samples
    split = outputs.shape[0] - RAND_SIZE
    pred_output = outputs[:split]
    rand_output = outputs[split:]

    pred_logits = jax.nn.softmax(pred_output, axis=1)
    pred_log_logits = jnp.log(pred_logits + 1e-05)

    # label-smoothed one-hot target (constant w.r.t. outputs)
    n_pred = pred_output.shape[0]
    pred_smooth_target = jnp.full(pred_output.shape, SMOOTHING / (CLS - 1), dtype=pred_output.dtype)
    rows = jnp.arange(n_pred)
    pred_smooth_target = pred_smooth_target.at[rows, target[:split]].set(CONFIDENCE)

    pred_loss = jnp.sum(-pred_smooth_target * pred_log_logits, axis=-1)
    pred_loss = jnp.mean(pred_loss)

    # uniform target for random samples
    rand_logits = jax.nn.softmax(rand_output, axis=1)
    rand_log_logits = jnp.log(rand_logits + 1e-05)
    rand_target = jnp.full(rand_output.shape, 1.0 / CLS, dtype=rand_output.dtype)
    rand_loss = jnp.sum(-rand_target * rand_log_logits, axis=-1)
    rand_loss = jnp.mean(rand_loss)

    loss = pred_loss + BETA * rand_loss
    loss = loss + jnp.asarray(rand_size - RAND_SIZE, dtype=loss.dtype)
    return loss

if __name__ == "__main__":
    import jax
    _d = setup_inputs()
    print(jax.jit(kernel)(*tuple(_d.values())))

</pallas_src>

<mosaic_0001>
#map = affine_map<(d0, d1) -> (0, 0)>
#map1 = affine_map<(d0, d1) -> (0)>
module attributes {stable_mosaic.version = 14 : i64} {
  func.func @_sc_gather_body(%arg0: i32, %arg1: i32, %arg2: memref<128000x128xf32, #tpu.memory_space<hbm>>, %arg3: memref<16384xi32, #tpu.memory_space<hbm>>, %arg4: memref<16384xf32, #tpu.memory_space<hbm>>, %arg5: memref<512xi32, #tpu.memory_space<vmem>>, %arg6: memref<512xi32, #tpu.memory_space<vmem>>, %arg7: memref<512xf32, #tpu.memory_space<vmem>>, %arg8: memref<128xi32, #tpu.memory_space<vmem>>, %arg9: memref<128xi32, #tpu.memory_space<vmem>>, %arg10: memref<128xi32, #tpu.memory_space<vmem>>, %arg11: memref<128xi32, #tpu.memory_space<vmem>>, %arg12: memref<128x128xf32, #tpu.memory_space<vmem>>, %arg13: memref<128x128xf32, #tpu.memory_space<vmem>>, %arg14: memref<128x128xf32, #tpu.memory_space<vmem>>, %arg15: memref<128x128xf32, #tpu.memory_space<vmem>>, %arg16: memref<!tpu.dma_semaphore, #tpu.memory_space<semaphore_mem>>) attributes {dimension_semantics = [#tpu.dimension_semantics<core_parallel>, #tpu.dimension_semantics<subcore_parallel>], iteration_bounds = array<i64: 2, 16>, scalar_prefetch = 0 : i64, scratch_operands = 12 : i64, tpu.core_type = #tpu.core_type<sc_vector_subcore>, window_params = [{transform_indices = #map}, {transform_indices = #map1}, {transform_indices = #map1}]} {
    %mul3A = arith.constant 2 : i32
    %mul3A_0 = arith.muli %arg1, %mul3A : i32
    %add3A = arith.addi %mul3A_0, %arg0 : i32
    %mul3A_1 = arith.constant 512 : i32
    %mul3A_2 = arith.muli %add3A, %mul3A_1 : i32
    "tpu.region"() ({
      %run_scoped3A = tpu.sem_alloc : memref<!tpu.dma_semaphore, #tpu.memory_space<semaphore_mem>>
      %dma_start3A_916 = tpu.memref_slice %arg3[%mul3A_2] : memref<16384xi32, #tpu.memory_space<hbm>> -> memref<512xi32, #tpu.memory_space<hbm>>
      %dma_start3A_917 = tpu.memref_slice %arg3[%mul3A_2] : memref<16384xi32, #tpu.memory_space<hbm>> -> memref<512xi32, #tpu.memory_space<hbm>>
      tpu.enqueue_dma source(%dma_start3A_917 : memref<512xi32, #tpu.memory_space<hbm>>) target(%arg5 : memref<512xi32, #tpu.memory_space<vmem>>) target_semaphore(%run_scoped3A : memref<!tpu.dma_semaphore, #tpu.memory_space<semaphore_mem>>)
      %dma_wait3A_918 = tpu.memref_slice %arg3[%mul3A_2] : memref<16384xi32, #tpu.memory_space<hbm>> -> memref<512xi32, #tpu.memory_space<hbm>>
      %dma_wait3A_919 = tpu.memref_slice %arg3[%mul3A_2] : memref<16384xi32, #tpu.memory_space<hbm>> -> memref<512xi32, #tpu.memory_space<hbm>>
      tpu.wait_dma2 semaphore(%run_scoped3A : memref<!tpu.dma_semaphore, #tpu.memory_space<semaphore_mem>>) src(%dma_wait3A_919 : memref<512xi32, #tpu.memory_space<hbm>>) dst(%arg5 : memref<512xi32, #tpu.memory_space<vmem>>)
      tpu.yield
    }) : () -> ()
    %iota3A = tpu.iota {dimensions = array<i32: 0>} : vector<16xi32>
    %get3A = arith.constant 0 : index
    %get3A_3 = tpu.vector_load %arg5[%get3A] {strides = array<i32>} : memref<512xi32, #tpu.memory_space<vmem>>, vector<16xi32>,
    %add3A_4 = arith.constant 0 : i32
    %add3A_5 = arith.addi %mul3A_2, %add3A_4 : i32
    %add3A_6 = vector.broadcast %add3A_5 : i32 to vector<16xi32>
    %add3A_7 = arith.addi %add3A_6, %iota3A : vector<16xi32>
    %mul3A_8 = arith.constant 16384 : i32
    %mul3A_9 = vector.broadcast %mul3A_8 : i32 to vector<16xi32>
    %mul3A_10 = arith.muli %get3A_3, %mul3A_9 : vector<16xi32>
    %add3A_11 = arith.addi %mul3A_10, %add3A_7 : vector<16xi32>
    %shift_right_logical3A = arith.constant 7 : i32
    %shift_right_logical3A_12 = vector.broadcast %shift_right_logical3A : i32 to vector<16xi32>
    %shift_right_logical3A_13 = arith.shrui %add3A_11, %shift_right_logical3A_12 : vector<16xi32>
    %swap3A = arith.constant 0 : index
    %swap3A_14 = tpu.vector_load %arg8[%swap3A] {strides = array<i32>} : memref<128xi32, #tpu.memory_space<vmem>>, vector<16xi32>,
    tpu.vector_store %arg8[%swap3A], %shift_right_logical3A_13 {strides = array<i32>} : memref<128xi32, #tpu.memory_space<vmem>>, vector<16xi32>,
    %and3A = arith.constant 127 : i32
    %and3A_15 = vector.broadcast %and3A : i32 to vector<16xi32>
    %and3A_16 = arith.andi %add3A_11, %and3A_15 : vector<16xi32>
    %swap3A_17 = arith.constant 0 : index
    %swap3A_18 = tpu.vector_load %arg6[%swap3A_17] {strides = array<i32>} : memref<512xi32, #tpu.memory_space<vmem>>, vector<16xi32>,
    tpu.vector_store %arg6[%swap3A_17], %and3A_16 {strides = array<i32>} : memref<512xi32, #tpu.memory_space<vmem>>, vector<16xi32>,
    %get3A_19 = arith.constant 16 : index
    %get3A_20 = tpu.vector_load %arg5[%get3A_19] {strides = array<i32>} : memref<512xi32, #tpu.memory_space<vmem>>, vector<16xi32>,
    %add3A_21 = arith.constant 16 : i32
    %add3A_22 = arith.addi %mul3A_2, %add3A_21 : i32
    %add3A_23 = vector.broadcast %add3A_22 : i32 to vector<16xi32>
    %add3A_24 = arith.addi %add3A_23, %iota3A : vector<16xi32>
    %mul3A_25 = arith.constant 16384 : i32
    %mul3A_26 = vector.broadcast %mul3A_25 : i32 to vector<16xi32>
    %mul3A_27 = arith.muli %get3A_20, %mul3A_26 : vector<16xi32>
    %add3A_28 = arith.addi %mul3A_27, %add3A_24 : vector<16xi32>
    %shift_right_logical3A_29 = arith.constant 7 : i32
    %shift_right_logical3A_30 = vector.broadcast %shift_right_logical3A_29 : i32 to vector<16xi32>
    %shift_right_logical3A_31 = arith.shrui %add3A_28, %shift_right_logical3A_30 : vector<16xi32>
    %swap3A_32 = arith.constant 16 : index
    %swap3A_33 = tpu.vector_load %arg8[%swap3A_32] {strides = array<i32>} : memref<128xi32, #tpu.memory_space<vmem>>, vector<16xi32>,
    tpu.vector_store %arg8[%swap3A_32], %shift_right_logical3A_31 {strides = array<i32>} : memref<128xi32, #tpu.memory_space<vmem>>, vector<16xi32>,
    %and3A_34 = arith.constant 127 : i32
    %and3A_35 = vector.broadcast %and3A_34 : i32 to vector<16xi32>
    %and3A_36 = arith.andi %add3A_28, %and3A_35 : vector<16xi32>
    %swap3A_37 = arith.constant 16 : index
    %swap3A_38 = tpu.vector_load %arg6[%swap3A_37] {strides = array<i32>} : memref<512xi32, #tpu.memory_space<vmem>>, vector<16xi32>,
    tpu.vector_store %arg6[%swap3A_37], %and3A_36 {strides = array<i32>} : memref<512xi32, #tpu.memory_space<vmem>>, vector<16xi32>,
    %get3A_39 = arith.constant 32 : index
    %get3A_40 = tpu.vector_load %arg5[%get3A_39] {strides = array<i32>} : memref<512xi32, #tpu.memory_space<vmem>>, vector<16xi32>,
    %add3A_41 = arith.constant 32 : i32
    %add3A_42 = arith.addi %mul3A_2, %add3A_41 : i32
    %add3A_43 = vector.broadcast %add3A_42 : i32 to vector<16xi32>
    %add3A_44 = arith.addi %add3A_43, %iota3A : vector<16xi32>
    %mul3A_45 = arith.constant 16384 : i32
    %mul3A_46 = vector.broadcast %mul3A_45 : i32 to vector<16xi32>
    %mul3A_47 = arith.muli %get3A_40, %mul3A_46 : vector<16xi32>
    %add3A_48 = arith.addi %mul3A_47, %add3A_44 : vector<16xi32>
    %shift_right_logical3A_49 = arith.constant 7 : i32
    %shift_right_logical3A_50 = vector.broadcast %shift_right_logical3A_49 : i32 to vector<16xi32>
    %shift_right_logical3A_51 = arith.shrui %add3A_48, %shift_right_logical3A_50 : vector<16xi32>
    %swap3A_52 = arith.constant 32 : index
    %swap3A_53 = tpu.vector_load %arg8[%swap3A_52] {strides = array<i32>} : memref<128xi32, #tpu.memory_space<vmem>>, vector<16xi32>,
    tpu.vector_store %arg8[%swap3A_52], %shift_right_logical3A_51 {strides = array<i32>} : memref<128xi32, #tpu.memory_space<vmem>>, vector<16xi32>,
    %and3A_54 = arith.constant 127 : i32
    %and3A_55 = vector.broadcast %and3A_54 : i32 to vector<16xi32>
    %and3A_56 = arith.andi %add3A_48, %and3A_55 : vector<16xi32>
    %swap3A_57 = arith.constant 32 : index
    %swap3A_58 = tpu.vector_load %arg6[%swap3A_57] {strides = array<i32>} : memref<512xi32, #tpu.memory_space<vmem>>, vector<16xi32>,
    tpu.vector_store %arg6[%swap3A_57], %and3A_56 {strides = array<i32>} : memref<512xi32, #tpu.memory_space<vmem>>, vector<16xi32>,
    %get3A_59 = arith.constant 48 : index
    %get3A_60 = tpu.vector_load %arg5[%get3A_59] {strides = array<i32>} : memref<512xi32, #tpu.memory_space<vmem>>, vector<16xi32>,
    %add3A_61 = arith.constant 48 : i32
    %add3A_62 = arith.addi %mul3A_2, %add3A_61 : i32
    %add3A_63 = vector.broadcast %add3A_62 : i32 to vector<16xi32>
    %add3A_64 = arith.addi %add3A_63, %iota3A : vector<16xi32>
    %mul3A_65 = arith.constant 16384 : i32
    %mul3A_66 = vector.broadcast %mul3A_65 : i32 to vector<16xi32>
    %mul3A_67 = arith.muli %get3A_60, %mul3A_66 : vector<16xi32>
    %add3A_68 = arith.addi %mul3A_67, %add3A_64 : vector<16xi32>
    %shift_right_logical3A_69 = arith.constant 7 : i32
    %shift_right_logical3A_70 = vector.broadcast %shift_right_logical3A_69 : i32 to vector<16xi32>
    %shift_right_logical3A_71 = arith.shrui %add3A_68, %shift_right_logical3A_70 : vector<16xi32>
    %swap3A_72 = arith.constant 48 : index
    %swap3A_73 = tpu.vector_load %arg8[%swap3A_72] {strides = array<i32>} : memref<128xi32, #tpu.memory_space<vmem>>, vector<16xi32>,
    tpu.vector_store %arg8[%swap3A_72], %shift_right_logical3A_71 {strides = array<i32>} : memref<128xi32, #tpu.memory_space<vmem>>, vector<16xi32>,
    %and3A_74 = arith.constant 127 : i32
    %and3A_75 = vector.broadcast %and3A_74 : i32 to vector<16xi32>
    %and3A_76 = arith.andi %add3A_68, %and3A_75 : vector<16xi32>
    %swap3A_77 = arith.constant 48 : index
    %swap3A_78 = tpu.vector_load %arg6[%swap3A_77] {strides = array<i32>} : memref<512xi32, #tpu.memory_space<vmem>>, vector<16xi32>,
    tpu.vector_store %arg6[%swap3A_77], %and3A_76 {strides = array<i32>} : memref<512xi32, #tpu.memory_space<vmem>>, vector<16xi32>,
    %get3A_79 = arith.constant 64 : index
    %get3A_80 = tpu.vector_load %arg5[%get3A_79] {strides = array<i32>} : memref<512xi32, #tpu.memory_space<vmem>>, vector<16xi32>,
    %add3A_81 = arith.constant 64 : i32
    %add3A_82 = arith.addi %mul3A_2, %add3A_81 : i32
    %add3A_83 = vector.broadcast %add3A_82 : i32 to vector<16xi32>
    %add3A_84 = arith.addi %add3A_83, %iota3A : vector<16xi32>
    %mul3A_85 = arith.constant 16384 : i32
    %mul3A_86 = vector.broadcast %mul3A_85 : i32 to vector<16xi32>
    %mul3A_87 = arith.muli %get3A_80, %mul3A_86 : vector<16xi32>
    %add3A_88 = arith.addi %mul3A_87, %add3A_84 : vector<16xi32>
    %shift_right_logical3A_89 = arith.constant 7 : i32
    %shift_right_logical3A_90 = vector.broadcast %shift_right_logical3A_89 : i32 to vector<16xi32>
    %shift_right_logical3A_91 = arith.shrui %add3A_88, %shift_right_logical3A_90 : vector<16xi32>
    %swap3A_92 = arith.constant 64 : index
    %swap3A_93 = tpu.vector_load %arg8[%swap3A_92] {strides = array<i32>} : memref<128xi32, #tpu.memory_space<vmem>>, vector<16xi32>,
    tpu.vector_store %arg8[%swap3A_92], %shift_right_logical3A_91 {strides = array<i32>} : memref<128xi32, #tpu.memory_space<vmem>>, vector<16xi32>,
    %and3A_94 = arith.constant 127 : i32
    %and3A_95 = vector.broadcast %and3A_94 : i32 to vector<16xi32>
    %and3A_96 = arith.andi %add3A_88, %and3A_95 : vector<16xi32>
    %swap3A_97 = arith.constant 64 : index
    %swap3A_98 = tpu.vector_load %arg6[%swap3A_97] {strides = array<i32>} : memref<512xi32, #tpu.memory_space<vmem>>, vector<16xi32>,
    tpu.vector_store %arg6[%swap3A_97], %and3A_96 {strides = array<i32>} : memref<512xi32, #tpu.memory_space<vmem>>, vector<16xi32>,
    %get3A_99 = arith.constant 80 : index
    %get3A_100 = tpu.vector_load %arg5[%get3A_99] {strides = array<i32>} : memref<512xi32, #tpu.memory_space<vmem>>, vector<16xi32>,
    %add3A_101 = arith.constant 80 : i32
    %add3A_102 = arith.addi %mul3A_2, %add3A_101 : i32
    %add3A_103 = vector.broadcast %add3A_102 : i32 to vector<16xi32>
    %add3A_104 = arith.addi %add3A_103, %iota3A : vector<16xi32>
    %mul3A_105 = arith.constant 16384 : i32
    %mul3A_106 = vector.broadcast %mul3A_105 : i32 to vector<16xi32>
    %mul3A_107 = arith.muli %get3A_100, %mul3A_106 : vector<16xi32>
    %add3A_108 = arith.addi %mul3A_107, %add3A_104 : vector<16xi32>
    %shift_right_logical3A_109 = arith.constant 7 : i32
    %shift_right_logical3A_110 = vector.broadcast %shift_right_logical3A_109 : i32 to vector<16xi32>
    %shift_right_logical3A_111 = arith.shrui %add3A_108, %shift_right_logical3A_110 : vector<16xi32>
    %swap3A_112 = arith.constant 80 : index
    %swap3A_113 = tpu.vector_load %arg8[%swap3A_112] {strides = array<i32>} : memref<128xi32, #tpu.memory_space<vmem>>, vector<16xi32>,
    tpu.vector_store %arg8[%swap3A_112], %shift_right_logical3A_111 {strides = array<i32>} : memref<128xi32, #tpu.memory_space<vmem>>, vector<16xi32>,
    %and3A_114 = arith.constant 127 : i32
    %and3A_115 = vector.broadcast %and3A_114 : i32 to vector<16xi32>
    %and3A_116 = arith.andi %add3A_108, %and3A_115 : vector<16xi32>
    %swap3A_117 = arith.constant 80 : index
    %swap3A_118 = tpu.vector_load %arg6[%swap3A_117] {strides = array<i32>} : memref<512xi32, #tpu.memory_space<vmem>>, vector<16xi32>,
    tpu.vector_store %arg6[%swap3A_117], %and3A_116 {strides = array<i32>} : memref<512xi32, #tpu.memory_space<vmem>>, vector<16xi32>,
    %get3A_119 = arith.constant 96 : index
    %get3A_120 = tpu.vector_load %arg5[%get3A_119] {strides = array<i32>} : memref<512xi32, #tpu.memory_space<vmem>>, vector<16xi32>,
    %add3A_121 = arith.constant 96 : i32
    %add3A_122 = arith.addi %mul3A_2, %add3A_121 : i32
    %add3A_123 = vector.broadcast %add3A_122 : i32 to vector<16xi32>
    %add3A_124 = arith.addi %add3A_123, %iota3A : vector<16xi32>
    %mul3A_125 = arith.constant 16384 : i32
    %mul3A_126 = vector.broadcast %mul3A_125 : i32 to vector<16xi32>
    %mul3A_127 = arith.muli %get3A_120, %mul3A_126 : vector<16xi32>
    %add3A_128 = arith.addi %mul3A_127, %add3A_124 : vector<16xi32>
    %shift_right_logical3A_129 = arith.constant 7 : i32
    %shift_right_logical3A_130 = vector.broadcast %shift_right_logical3A_129 : i32 to vector<16xi32>
    %shift_right_logical3A_131 = arith.shrui %add3A_128, %shift_right_logical3A_130 : vector<16xi32>
    %swap3A_132 = arith.constant 96 : index
    %swap3A_133 = tpu.vector_load %arg8[%swap3A_132] {strides = array<i32>} : memref<128xi32, #tpu.memory_space<vmem>>, vector<16xi32>,
    tpu.vector_store %arg8[%swap3A_132], %shift_right_logical3A_131 {strides = array<i32>} : memref<128xi32, #tpu.memory_space<vmem>>, vector<16xi32>,
    %and3A_134 = arith.constant 127 : i32
    %and3A_135 = vector.broadcast %and3A_134 : i32 to vector<16xi32>
    %and3A_136 = arith.andi %add3A_128, %and3A_135 : vector<16xi32>
    %swap3A_137 = arith.constant 96 : index
    %swap3A_138 = tpu.vector_load %arg6[%swap3A_137] {strides = array<i32>} : memref<512xi32, #tpu.memory_space<vmem>>, vector<16xi32>,
    tpu.vector_store %arg6[%swap3A_137], %and3A_136 {strides = array<i32>} : memref<512xi32, #tpu.memory_space<vmem>>, vector<16xi32>,
    %get3A_139 = arith.constant 112 : index
    %get3A_140 = tpu.vector_load %arg5[%get3A_139] {strides = array<i32>} : memref<512xi32, #tpu.memory_space<vmem>>, vector<16xi32>,
    %add3A_141 = arith.constant 112 : i32
    %add3A_142 = arith.addi %mul3A_2, %add3A_141 : i32
    %add3A_143 = vector.broadcast %add3A_142 : i32 to vector<16xi32>
    %add3A_144 = arith.addi %add3A_143, %iota3A : vector<16xi32>
    %mul3A_145 = arith.constant 16384 : i32
    %mul3A_146 = vector.broadcast %mul3A_145 : i32 to vector<16xi32>
    %mul3A_147 = arith.muli %get3A_140, %mul3A_146 : vector<16xi32>
    %add3A_148 = arith.addi %mul3A_147, %add3A_144 : vector<16xi32>
    %shift_right_logical3A_149 = arith.constant 7 : i32
    %shift_right_logical3A_150 = vector.broadcast %shift_right_logical3A_149 : i32 to vector<16xi32>
    %shift_right_logical3A_151 = arith.shrui %add3A_148, %shift_right_logical3A_150 : vector<16xi32>
    %swap3A_152 = arith.constant 112 : index
    %swap3A_153 = tpu.vector_load %arg8[%swap3A_152] {strides = array<i32>} : memref<128xi32, #tpu.memory_space<vmem>>, vector<16xi32>,
    tpu.vector_store %arg8[%swap3A_152], %shift_right_logical3A_151 {strides = array<i32>} : memref<128xi32, #tpu.memory_space<vmem>>, vector<16xi32>,
    %and3A_154 = arith.constant 127 : i32
    %and3A_155 = vector.broadcast %and3A_154 : i32 to vector<16xi32>
    %and3A_156 = arith.andi %add3A_148, %and3A_155 : vector<16xi32>
    %swap3A_157 = arith.constant 112 : index
    %swap3A_158 = tpu.vector_load %arg6[%swap3A_157] {strides = array<i32>} : memref<512xi32, #tpu.memory_space<vmem>>, vector<16xi32>,
    tpu.vector_store %arg6[%swap3A_157], %and3A_156 {strides = array<i32>} : memref<512xi32, #tpu.memory_space<vmem>>, vector<16xi32>,
    %get3A_159 = arith.constant 128 : index
    %get3A_160 = tpu.vector_load %arg5[%get3A_159] {strides = array<i32>} : memref<512xi32, #tpu.memory_space<vmem>>, vector<16xi32>,
    %add3A_161 = arith.constant 128 : i32
    %add3A_162 = arith.addi %mul3A_2, %add3A_161 : i32
    %add3A_163 = vector.broadcast %add3A_162 : i32 to vector<16xi32>
    %add3A_164 = arith.addi %add3A_163, %iota3A : vector<16xi32>
    %mul3A_165 = arith.constant 16384 : i32
    %mul3A_166 = vector.broadcast %mul3A_165 : i32 to vector<16xi32>
    %mul3A_167 = arith.muli %get3A_160, %mul3A_166 : vector<16xi32>
    %add3A_168 = arith.addi %mul3A_167, %add3A_164 : vector<16xi32>
    %shift_right_logical3A_169 = arith.constant 7 : i32
    %shift_right_logical3A_170 = vector.broadcast %shift_right_logical3A_169 : i32 to vector<16xi32>
    %shift_right_logical3A_171 = arith.shrui %add3A_168, %shift_right_logical3A_170 : vector<16xi32>
    %swap3A_172 = arith.constant 0 : index
    %swap3A_173 = tpu.vector_load %arg9[%swap3A_172] {strides = array<i32>} : memref<128xi32, #tpu.memory_space<vmem>>, vector<16xi32>,
    tpu.vector_store %arg9[%swap3A_172], %shift_right_logical3A_171 {strides = array<i32>} : memref<128xi32, #tpu.memory_space<vmem>>, vector<16xi32>,
    %and3A_174 = arith.constant 127 : i32
    %and3A_175 = vector.broadcast %and3A_174 : i32 to vector<16xi32>
    %and3A_176 = arith.andi %add3A_168, %and3A_175 : vector<16xi32>
    %swap3A_177 = arith.constant 128 : index
    %swap3A_178 = tpu.vector_load %arg6[%swap3A_177] {strides = array<i32>} : memref<512xi32, #tpu.memory_space<vmem>>, vector<16xi32>,
    tpu.vector_store %arg6[%swap3A_177], %and3A_176 {strides = array<i32>} : memref<512xi32, #tpu.memory_space<vmem>>, vector<16xi32>,
    %get3A_179 = arith.constant 144 : index
    %get3A_180 = tpu.vector_load %arg5[%get3A_179] {strides = array<i32>} : memref<512xi32, #tpu.memory_space<vmem>>, vector<16xi32>,
    %add3A_181 = arith.constant 144 : i32
    %add3A_182 = arith.addi %mul3A_2, %add3A_181 : i32
    %add3A_183 = vector.broadcast %add3A_182 : i32 to vector<16xi32>
    %add3A_184 = arith.addi %add3A_183, %iota3A : vector<16xi32>
    %mul3A_185 = arith.constant 16384 : i32
    %mul3A_186 = vector.broadcast %mul3A_185 : i32 to vector<16xi32>
    %mul3A_187 = arith.muli %get3A_180, %mul3A_186 : vector<16xi32>
    %add3A_188 = arith.addi %mul3A_187, %add3A_184 : vector<16xi32>
    %shift_right_logical3A_189 = arith.constant 7 : i32
    %shift_right_logical3A_190 = vector.broadcast %shift_right_logical3A_189 : i32 to vector<16xi32>
    %shift_right_logical3A_191 = arith.shrui %add3A_188, %shift_right_logical3A_190 : vector<16xi32>
    %swap3A_192 = arith.constant 16 : index
    %swap3A_193 = tpu.vector_load %arg9[%swap3A_192] {strides = array<i32>} : memref<128xi32, #tpu.memory_space<vmem>>, vector<16xi32>,
    tpu.vector_store %arg9[%swap3A_192], %shift_right_logical3A_191 {strides = array<i32>} : memref<128xi32, #tpu.memory_space<vmem>>, vector<16xi32>,
    %and3A_194 = arith.constant 127 : i32
    %and3A_195 = vector.broadcast %and3A_194 : i32 to vector<16xi32>
    %and3A_196 = arith.andi %add3A_188, %and3A_195 : vector<16xi32>
    %swap3A_197 = arith.constant 144 : index
    %swap3A_198 = tpu.vector_load %arg6[%swap3A_197] {strides = array<i32>} : memref<512xi32, #tpu.memory_space<vmem>>, vector<16xi32>,
    tpu.vector_store %arg6[%swap3A_197], %and3A_196 {strides = array<i32>} : memref<512xi32, #tpu.memory_space<vmem>>, vector<16xi32>,
    %get3A_199 = arith.constant 160 : index
    %get3A_200 = tpu.vector_load %arg5[%get3A_199] {strides = array<i32>} : memref<512xi32, #tpu.memory_space<vmem>>, vector<16xi32>,
    %add3A_201 = arith.constant 160 : i32
    %add3A_202 = arith.addi %mul3A_2, %add3A_201 : i32
    %add3A_203 = vector.broadcast %add3A_202 : i32 to vector<16xi32>
    %add3A_204 = arith.addi %add3A_203, %iota3A : vector<16xi32>
    %mul3A_205 = arith.constant 16384 : i32
    %mul3A_206 = vector.broadcast %mul3A_205 : i32 to vector<16xi32>
    %mul3A_207 = arith.muli %get3A_200, %mul3A_206 : vector<16xi32>
    %add3A_208 = arith.addi %mul3A_207, %add3A_204 : vector<16xi32>
    %shift_right_logical3A_209 = arith.constant 7 : i32
    %shift_right_logical3A_210 = vector.broadcast %shift_right_logical3A_209 : i32 to vector<16xi32>
    %shift_right_logical3A_211 = arith.shrui %add3A_208, %shift_right_logical3A_210 : vector<16xi32>
    %swap3A_212 = arith.constant 32 : index
    %swap3A_213 = tpu.vector_load %arg9[%swap3A_212] {strides = array<i32>} : memref<128xi32, #tpu.memory_space<vmem>>, vector<16xi32>,
    tpu.vector_store %arg9[%swap3A_212], %shift_right_logical3A_211 {strides = array<i32>} : memref<128xi32, #tpu.memory_space<vmem>>, vector<16xi32>,
    %and3A_214 = arith.constant 127 : i32
    %and3A_215 = vector.broadcast %and3A_214 : i32 to vector<16xi32>
    %and3A_216 = arith.andi %add3A_208, %and3A_215 : vector<16xi32>
    %swap3A_217 = arith.constant 160 : index
    %swap3A_218 = tpu.vector_load %arg6[%swap3A_217] {strides = array<i32>} : memref<512xi32, #tpu.memory_space<vmem>>, vector<16xi32>,
    tpu.vector_store %arg6[%swap3A_217], %and3A_216 {strides = array<i32>} : memref<512xi32, #tpu.memory_space<vmem>>, vector<16xi32>,
    %get3A_219 = arith.constant 176 : index
    %get3A_220 = tpu.vector_load %arg5[%get3A_219] {strides = array<i32>} : memref<512xi32, #tpu.memory_space<vmem>>, vector<16xi32>,
    %add3A_221 = arith.constant 176 : i32
    %add3A_222 = arith.addi %mul3A_2, %add3A_221 : i32
    %add3A_223 = vector.broadcast %add3A_222 : i32 to vector<16xi32>
    %add3A_224 = arith.addi %add3A_223, %iota3A : vector<16xi32>
    %mul3A_225 = arith.constant 16384 : i32
    %mul3A_226 = vector.broadcast %mul3A_225 : i32 to vector<16xi32>
    %mul3A_227 = arith.muli %get3A_220, %mul3A_226 : vector<16xi32>
    %add3A_228 = arith.addi %mul3A_227, %add3A_224 : vector<16xi32>
    %shift_right_logical3A_229 = arith.constant 7 : i32
    %shift_right_logical3A_230 = vector.broadcast %shift_right_logical3A_229 : i32 to vector<16xi32>
    %shift_right_logical3A_231 = arith.shrui %add3A_228, %shift_right_logical3A_230 : vector<16xi32>
    %swap3A_232 = arith.constant 48 : index
    %swap3A_233 = tpu.vector_load %arg9[%swap3A_232] {strides = array<i32>} : memref<128xi32, #tpu.memory_space<vmem>>, vector<16xi32>,
    tpu.vector_store %arg9[%swap3A_232], %shift_right_logical3A_231 {strides = array<i32>} : memref<128xi32, #tpu.memory_space<vmem>>, vector<16xi32>,
    %and3A_234 = arith.constant 127 : i32
    %and3A_235 = vector.broadcast %and3A_234 : i32 to vector<16xi32>
    %and3A_236 = arith.andi %add3A_228, %and3A_235 : vector<16xi32>
    %swap3A_237 = arith.constant 176 : index
    %swap3A_238 = tpu.vector_load %arg6[%swap3A_237] {strides = array<i32>} : memref<512xi32, #tpu.memory_space<vmem>>, vector<16xi32>,
    tpu.vector_store %arg6[%swap3A_237], %and3A_236 {strides = array<i32>} : memref<512xi32, #tpu.memory_space<vmem>>, vector<16xi32>,
    %get3A_239 = arith.constant 192 : index
    %get3A_240 = tpu.vector_load %arg5[%get3A_239] {strides = array<i32>} : memref<512xi32, #tpu.memory_space<vmem>>, vector<16xi32>,
    %add3A_241 = arith.constant 192 : i32
    %add3A_242 = arith.addi %mul3A_2, %add3A_241 : i32
    %add3A_243 = vector.broadcast %add3A_242 : i32 to vector<16xi32>
    %add3A_244 = arith.addi %add3A_243, %iota3A : vector<16xi32>
    %mul3A_245 = arith.constant 16384 : i32
    %mul3A_246 = vector.broadcast %mul3A_245 : i32 to vector<16xi32>
    %mul3A_247 = arith.muli %get3A_240, %mul3A_246 : vector<16xi32>
    %add3A_248 = arith.addi %mul3A_247, %add3A_244 : vector<16xi32>
    %shift_right_logical3A_249 = arith.constant 7 : i32
    %shift_right_logical3A_250 = vector.broadcast %shift_right_logical3A_249 : i32 to vector<16xi32>
    %shift_right_logical3A_251 = arith.shrui %add3A_248, %shift_right_logical3A_250 : vector<16xi32>
    %swap3A_252 = arith.constant 64 : index
    %swap3A_253 = tpu.vector_load %arg9[%swap3A_252] {strides = array<i32>} : memref<128xi32, #tpu.memory_space<vmem>>, vector<16xi32>,
    tpu.vector_store %arg9[%swap3A_252], %shift_right_logical3A_251 {strides = array<i32>} : memref<128xi32, #tpu.memory_space<vmem>>, vector<16xi32>,
    %and3A_254 = arith.constant 127 : i32
    %and3A_255 = vector.broadcast %and3A_254 : i32 to vector<16xi32>
    %and3A_256 = arith.andi %add3A_248, %and3A_255 : vector<16xi32>
    %swap3A_257 = arith.constant 192 : index
    %swap3A_258 = tpu.vector_load %arg6[%swap3A_257] {strides = array<i32>} : memref<512xi32, #tpu.memory_space<vmem>>, vector<16xi32>,
    tpu.vector_store %arg6[%swap3A_257], %and3A_256 {strides = array<i32>} : memref<512xi32, #tpu.memory_space<vmem>>, vector<16xi32>,
    %get3A_259 = arith.constant 208 : index
    %get3A_260 = tpu.vector_load %arg5[%get3A_259] {strides = array<i32>} : memref<512xi32, #tpu.memory_space<vmem>>, vector<16xi32>,
    %add3A_261 = arith.constant 208 : i32
    %add3A_262 = arith.addi %mul3A_2, %add3A_261 : i32
    %add3A_263 = vector.broadcast %add3A_262 : i32 to vector<16xi32>
    %add3A_264 = arith.addi %add3A_263, %iota3A : vector<16xi32>
    %mul3A_265 = arith.constant 16384 : i32
    %mul3A_266 = vector.broadcast %mul3A_265 : i32 to vector<16xi32>
    %mul3A_267 = arith.muli %get3A_260, %mul3A_266 : vector<16xi32>
    %add3A_268 = arith.addi %mul3A_267, %add3A_264 : vector<16xi32>
    %shift_right_logical3A_269 = arith.constant 7 : i32
    %shift_right_logical3A_270 = vector.broadcast %shift_right_logical3A_269 : i32 to vector<16xi32>
    %shift_right_logical3A_271 = arith.shrui %add3A_268, %shift_right_logical3A_270 : vector<16xi32>
    %swap3A_272 = arith.constant 80 : index
    %swap3A_273 = tpu.vector_load %arg9[%swap3A_272] {strides = array<i32>} : memref<128xi32, #tpu.memory_space<vmem>>, vector<16xi32>,
    tpu.vector_store %arg9[%swap3A_272], %shift_right_logical3A_271 {strides = array<i32>} : memref<128xi32, #tpu.memory_space<vmem>>, vector<16xi32>,
    %and3A_274 = arith.constant 127 : i32
    %and3A_275 = vector.broadcast %and3A_274 : i32 to vector<16xi32>
    %and3A_276 = arith.andi %add3A_268, %and3A_275 : vector<16xi32>
    %swap3A_277 = arith.constant 208 : index
    %swap3A_278 = tpu.vector_load %arg6[%swap3A_277] {strides = array<i32>} : memref<512xi32, #tpu.memory_space<vmem>>, vector<16xi32>,
    tpu.vector_store %arg6[%swap3A_277], %and3A_276 {strides = array<i32>} : memref<512xi32, #tpu.memory_space<vmem>>, vector<16xi32>,
    %get3A_279 = arith.constant 224 : index
    %get3A_280 = tpu.vector_load %arg5[%get3A_279] {strides = array<i32>} : memref<512xi32, #tpu.memory_space<vmem>>, vector<16xi32>,
    %add3A_281 = arith.constant 224 : i32
    %add3A_282 = arith.addi %mul3A_2, %add3A_281 : i32
    %add3A_283 = vector.broadcast %add3A_282 : i32 to vector<16xi32>
    %add3A_284 = arith.addi %add3A_283, %iota3A : vector<16xi32>
    %mul3A_285 = arith.constant 16384 : i32
    %mul3A_286 = vector.broadcast %mul3A_285 : i32 to vector<16xi32>
    %mul3A_287 = arith.muli %get3A_280, %mul3A_286 : vector<16xi32>
    %add3A_288 = arith.addi %mul3A_287, %add3A_284 : vector<16xi32>
    %shift_right_logical3A_289 = arith.constant 7 : i32
    %shift_right_logical3A_290 = vector.broadcast %shift_right_logical3A_289 : i32 to vector<16xi32>
    %shift_right_logical3A_291 = arith.shrui %add3A_288, %shift_right_logical3A_290 : vector<16xi32>
    %swap3A_292 = arith.constant 96 : index
    %swap3A_293 = tpu.vector_load %arg9[%swap3A_292] {strides = array<i32>} : memref<128xi32, #tpu.memory_space<vmem>>, vector<16xi32>,
    tpu.vector_store %arg9[%swap3A_292], %shift_right_logical3A_291 {strides = array<i32>} : memref<128xi32, #tpu.memory_space<vmem>>, vector<16xi32>,
    %and3A_294 = arith.constant 127 : i32
    %and3A_295 = vector.broadcast %and3A_294 : i32 to vector<16xi32>
    %and3A_296 = arith.andi %add3A_288, %and3A_295 : vector<16xi32>
    %swap3A_297 = arith.constant 224 : index
    %swap3A_298 = tpu.vector_load %arg6[%swap3A_297] {strides = array<i32>} : memref<512xi32, #tpu.memory_space<vmem>>, vector<16xi32>,
    tpu.vector_store %arg6[%swap3A_297], %and3A_296 {strides = array<i32>} : memref<512xi32, #tpu.memory_space<vmem>>, vector<16xi32>,
    %get3A_299 = arith.constant 240 : index
    %get3A_300 = tpu.vector_load %arg5[%get3A_299] {strides = array<i32>} : memref<512xi32, #tpu.memory_space<vmem>>, vector<16xi32>,
    %add3A_301 = arith.constant 240 : i32
    %add3A_302 = arith.addi %mul3A_2, %add3A_301 : i32
    %add3A_303 = vector.broadcast %add3A_302 : i32 to vector<16xi32>
    %add3A_304 = arith.addi %add3A_303, %iota3A : vector<16xi32>
    %mul3A_305 = arith.constant 16384 : i32
    %mul3A_306 = vector.broadcast %mul3A_305 : i32 to vector<16xi32>
    %mul3A_307 = arith.muli %get3A_300, %mul3A_306 : vector<16xi32>
    %add3A_308 = arith.addi %mul3A_307, %add3A_304 : vector<16xi32>
    %shift_right_logical3A_309 = arith.constant 7 : i32
    %shift_right_logical3A_310 = vector.broadcast %shift_right_logical3A_309 : i32 to vector<16xi32>
    %shift_right_logical3A_311 = arith.shrui %add3A_308, %shift_right_logical3A_310 : vector<16xi32>
    %swap3A_312 = arith.constant 112 : index
    %swap3A_313 = tpu.vector_load %arg9[%swap3A_312] {strides = array<i32>} : memref<128xi32, #tpu.memory_space<vmem>>, vector<16xi32>,
    tpu.vector_store %arg9[%swap3A_312], %shift_right_logical3A_311 {strides = array<i32>} : memref<128xi32, #tpu.memory_space<vmem>>, vector<16xi32>,
    %and3A_314 = arith.constant 127 : i32
    %and3A_315 = vector.broadcast %and3A_314 : i32 to vector<16xi32>
    %and3A_316 = arith.andi %add3A_308, %and3A_315 : vector<16xi32>
    %swap3A_317 = arith.constant 240 : index
    %swap3A_318 = tpu.vector_load %arg6[%swap3A_317] {strides = array<i32>} : memref<512xi32, #tpu.memory_space<vmem>>, vector<16xi32>,
    tpu.vector_store %arg6[%swap3A_317], %and3A_316 {strides = array<i32>} : memref<512xi32, #tpu.memory_space<vmem>>, vector<16xi32>,
    %get3A_319 = arith.constant 256 : index
    %get3A_320 = tpu.vector_load %arg5[%get3A_319] {strides = array<i32>} : memref<512xi32, #tpu.memory_space<vmem>>, vector<16xi32>,
    %add3A_321 = arith.constant 256 : i32
    %add3A_322 = arith.addi %mul3A_2, %add3A_321 : i32
    %add3A_323 = vector.broadcast %add3A_322 : i32 to vector<16xi32>
    %add3A_324 = arith.addi %add3A_323, %iota3A : vector<16xi32>
    %mul3A_325 = arith.constant 16384 : i32
    %mul3A_326 = vector.broadcast %mul3A_325 : i32 to vector<16xi32>
    %mul3A_327 = arith.muli %get3A_320, %mul3A_326 : vector<16xi32>
    %add3A_328 = arith.addi %mul3A_327, %add3A_324 : vector<16xi32>
    %shift_right_logical3A_329 = arith.constant 7 : i32
    %shift_right_logical3A_330 = vector.broadcast %shift_right_logical3A_329 : i32 to vector<16xi32>
    %shift_right_logical3A_331 = arith.shrui %add3A_328, %shift_right_logical3A_330 : vector<16xi32>
    %swap3A_332 = arith.constant 0 : index
    %swap3A_333 = tpu.vector_load %arg10[%swap3A_332] {strides = array<i32>} : memref<128xi32, #tpu.memory_space<vmem>>, vector<16xi32>,
    tpu.vector_store %arg10[%swap3A_332], %shift_right_logical3A_331 {strides = array<i32>} : memref<128xi32, #tpu.memory_space<vmem>>, vector<16xi32>,
    %and3A_334 = arith.constant 127 : i32
    %and3A_335 = vector.broadcast %and3A_334 : i32 to vector<16xi32>
    %and3A_336 = arith.andi %add3A_328, %and3A_335 : vector<16xi32>
    %swap3A_337 = arith.constant 256 : index
    %swap3A_338 = tpu.vector_load %arg6[%swap3A_337] {strides = array<i32>} : memref<512xi32, #tpu.memory_space<vmem>>, vector<16xi32>,
    tpu.vector_store %arg6[%swap3A_337], %and3A_336 {strides = array<i32>} : memref<512xi32, #tpu.memory_space<vmem>>, vector<16xi32>,
    %get3A_339 = arith.constant 272 : index
    %get3A_340 = tpu.vector_load %arg5[%get3A_339] {strides = array<i32>} : memref<512xi32, #tpu.memory_space<vmem>>, vector<16xi32>,
    %add3A_341 = arith.constant 272 : i32
    %add3A_342 = arith.addi %mul3A_2, %add3A_341 : i32
    %add3A_343 = vector.broadcast %add3A_342 : i32 to vector<16xi32>
    %add3A_344 = arith.addi %add3A_343, %iota3A : vector<16xi32>
    %mul3A_345 = arith.constant 16384 : i32
    %mul3A_346 = vector.broadcast %mul3A_345 : i32 to vector<16xi32>
    %mul3A_347 = arith.muli %get3A_340, %mul3A_346 : vector<16xi32>
    %add3A_348 = arith.addi %mul3A_347, %add3A_344 : vector<16xi32>
    %shift_right_logical3A_349 = arith.constant 7 : i32
    %shift_right_logical3A_350 = vector.broadcast %shift_right_logical3A_349 : i32 to vector<16xi32>
    %shift_right_logical3A_351 = arith.shrui %add3A_348, %shift_right_logical3A_350 : vector<16xi32>
    %swap3A_352 = arith.constant 16 : index
    %swap3A_353 = tpu.vector_load %arg10[%swap3A_352] {strides = array<i32>} : memref<128xi32, #tpu.memory_space<vmem>>, vector<16xi32>,
    tpu.vector_store %arg10[%swap3A_352], %shift_right_logical3A_351 {strides = array<i32>} : memref<128xi32, #tpu.memory_space<vmem>>, vector<16xi32>,
    %and3A_354 = arith.constant 127 : i32
    %and3A_355 = vector.broadcast %and3A_354 : i32 to vector<16xi32>
    %and3A_356 = arith.andi %add3A_348, %and3A_355 : vector<16xi32>
    %swap3A_357 = arith.constant 272 : index
    %swap3A_358 = tpu.vector_load %arg6[%swap3A_357] {strides = array<i32>} : memref<512xi32, #tpu.memory_space<vmem>>, vector<16xi32>,
    tpu.vector_store %arg6[%swap3A_357], %and3A_356 {strides = array<i32>} : memref<512xi32, #tpu.memory_space<vmem>>, vector<16xi32>,
    %get3A_359 = arith.constant 288 : index
    %get3A_360 = tpu.vector_load %arg5[%get3A_359] {strides = array<i32>} : memref<512xi32, #tpu.memory_space<vmem>>, vector<16xi32>,
    %add3A_361 = arith.constant 288 : i32
    %add3A_362 = arith.addi %mul3A_2, %add3A_361 : i32
    %add3A_363 = vector.broadcast %add3A_362 : i32 to vector<16xi32>
    %add3A_364 = arith.addi %add3A_363, %iota3A : vector<16xi32>
    %mul3A_365 = arith.constant 16384 : i32
    %mul3A_366 = vector.broadcast %mul3A_365 : i32 to vector<16xi32>
    %mul3A_367 = arith.muli %get3A_360, %mul3A_366 : vector<16xi32>
    %add3A_368 = arith.addi %mul3A_367, %add3A_364 : vector<16xi32>
    %shift_right_logical3A_369 = arith.constant 7 : i32
    %shift_right_logical3A_370 = vector.broadcast %shift_right_logical3A_369 : i32 to vector<16xi32>
    %shift_right_logical3A_371 = arith.shrui %add3A_368, %shift_right_logical3A_370 : vector<16xi32>
    %swap3A_372 = arith.constant 32 : index
    %swap3A_373 = tpu.vector_load %arg10[%swap3A_372] {strides = array<i32>} : memref<128xi32, #tpu.memory_space<vmem>>, vector<16xi32>,
    tpu.vector_store %arg10[%swap3A_372], %shift_right_logical3A_371 {strides = array<i32>} : memref<128xi32, #tpu.memory_space<vmem>>, vector<16xi32>,
    %and3A_374 = arith.constant 127 : i32
    %and3A_375 = vector.broadcast %and3A_374 : i32 to vector<16xi32>
    %and3A_376 = arith.andi %add3A_368, %and3A_375 : vector<16xi32>
    %swap3A_377 = arith.constant 288 : index
    %swap3A_378 = tpu.vector_load %arg6[%swap3A_377] {strides = array<i32>} : memref<512xi32, #tpu.memory_space<vmem>>, vector<16xi32>,
    tpu.vector_store %arg6[%swap3A_377], %and3A_376 {strides = array<i32>} : memref<512xi32, #tpu.memory_space<vmem>>, vector<16xi32>,
    %get3A_379 = arith.constant 304 : index
    %get3A_380 = tpu.vector_load %arg5[%get3A_379] {strides = array<i32>} : memref<512xi32, #tpu.memory_space<vmem>>, vector<16xi32>,
    %add3A_381 = arith.constant 304 : i32
    %add3A_382 = arith.addi %mul3A_2, %add3A_381 : i32
    %add3A_383 = vector.broadcast %add3A_382 : i32 to vector<16xi32>
    %add3A_384 = arith.addi %add3A_383, %iota3A : vector<16xi32>
    %mul3A_385 = arith.constant 16384 : i32
    %mul3A_386 = vector.broadcast %mul3A_385 : i32 to vector<16xi32>
    %mul3A_387 = arith.muli %get3A_380, %mul3A_386 : vector<16xi32>
    %add3A_388 = arith.addi %mul3A_387, %add3A_384 : vector<16xi32>
    %shift_right_logical3A_389 = arith.constant 7 : i32
    %shift_right_logical3A_390 = vector.broadcast %shift_right_logical3A_389 : i32 to vector<16xi32>
    %shift_right_logical3A_391 = arith.shrui %add3A_388, %shift_right_logical3A_390 : vector<16xi32>
    %swap3A_392 = arith.constant 48 : index
    %swap3A_393 = tpu.vector_load %arg10[%swap3A_392] {strides = array<i32>} : memref<128xi32, #tpu.memory_space<vmem>>, vector<16xi32>,
    tpu.vector_store %arg10[%swap3A_392], %shift_right_logical3A_391 {strides = array<i32>} : memref<128xi32, #tpu.memory_space<vmem>>, vector<16xi32>,
    %and3A_394 = arith.constant 127 : i32
    %and3A_395 = vector.broadcast %and3A_394 : i32 to vector<16xi32>
    %and3A_396 = arith.andi %add3A_388, %and3A_395 : vector<16xi32>
    %swap3A_397 = arith.constant 304 : index
    %swap3A_398 = tpu.vector_load %arg6[%swap3A_397] {strides = array<i32>} : memref<512xi32, #tpu.memory_space<vmem>>, vector<16xi32>,
    tpu.vector_store %arg6[%swap3A_397], %and3A_396 {strides = array<i32>} : memref<512xi32, #tpu.memory_space<vmem>>, vector<16xi32>,
    %get3A_399 = arith.constant 320 : index
    %get3A_400 = tpu.vector_load %arg5[%get3A_399] {strides = array<i32>} : memref<512xi32, #tpu.memory_space<vmem>>, vector<16xi32>,
    %add3A_401 = arith.constant 320 : i32
    %add3A_402 = arith.addi %mul3A_2, %add3A_401 : i32
    %add3A_403 = vector.broadcast %add3A_402 : i32 to vector<16xi32>
    %add3A_404 = arith.addi %add3A_403, %iota3A : vector<16xi32>
    %mul3A_405 = arith.constant 16384 : i32
    %mul3A_406 = vector.broadcast %mul3A_405 : i32 to vector<16xi32>
    %mul3A_407 = arith.muli %get3A_400, %mul3A_406 : vector<16xi32>
    %add3A_408 = arith.addi %mul3A_407, %add3A_404 : vector<16xi32>
    %shift_right_logical3A_409 = arith.constant 7 : i32
    %shift_right_logical3A_410 = vector.broadcast %shift_right_logical3A_409 : i32 to vector<16xi32>
    %shift_right_logical3A_411 = arith.shrui %add3A_408, %shift_right_logical3A_410 : vector<16xi32>
    %swap3A_412 = arith.constant 64 : index
    %swap3A_413 = tpu.vector_load %arg10[%swap3A_412] {strides = array<i32>} : memref<128xi32, #tpu.memory_space<vmem>>, vector<16xi32>,
    tpu.vector_store %arg10[%swap3A_412], %shift_right_logical3A_411 {strides = array<i32>} : memref<128xi32, #tpu.memory_space<vmem>>, vector<16xi32>,
    %and3A_414 = arith.constant 127 : i32
    %and3A_415 = vector.broadcast %and3A_414 : i32 to vector<16xi32>
    %and3A_416 = arith.andi %add3A_408, %and3A_415 : vector<16xi32>
    %swap3A_417 = arith.constant 320 : index
    %swap3A_418 = tpu.vector_load %arg6[%swap3A_417] {strides = array<i32>} : memref<512xi32, #tpu.memory_space<vmem>>, vector<16xi32>,
    tpu.vector_store %arg6[%swap3A_417], %and3A_416 {strides = array<i32>} : memref<512xi32, #tpu.memory_space<vmem>>, vector<16xi32>,
    %get3A_419 = arith.constant 336 : index
    %get3A_420 = tpu.vector_load %arg5[%get3A_419] {strides = array<i32>} : memref<512xi32, #tpu.memory_space<vmem>>, vector<16xi32>,
    %add3A_421 = arith.constant 336 : i32
    %add3A_422 = arith.addi %mul3A_2, %add3A_421 : i32
    %add3A_423 = vector.broadcast %add3A_422 : i32 to vector<16xi32>
    %add3A_424 = arith.addi %add3A_423, %iota3A : vector<16xi32>
    %mul3A_425 = arith.constant 16384 : i32
    %mul3A_426 = vector.broadcast %mul3A_425 : i32 to vector<16xi32>
    %mul3A_427 = arith.muli %get3A_420, %mul3A_426 : vector<16xi32>
    %add3A_428 = arith.addi %mul3A_427, %add3A_424 : vector<16xi32>
    %shift_right_logical3A_429 = arith.constant 7 : i32
    %shift_right_logical3A_430 = vector.broadcast %shift_right_logical3A_429 : i32 to vector<16xi32>
    %shift_right_logical3A_431 = arith.shrui %add3A_428, %shift_right_logical3A_430 : vector<16xi32>
    %swap3A_432 = arith.constant 80 : index
    %swap3A_433 = tpu.vector_load %arg10[%swap3A_432] {strides = array<i32>} : memref<128xi32, #tpu.memory_space<vmem>>, vector<16xi32>,
    tpu.vector_store %arg10[%swap3A_432], %shift_right_logical3A_431 {strides = array<i32>} : memref<128xi32, #tpu.memory_space<vmem>>, vector<16xi32>,
    %and3A_434 = arith.constant 127 : i32
    %and3A_435 = vector.broadcast %and3A_434 : i32 to vector<16xi32>
    %and3A_436 = arith.andi %add3A_428, %and3A_435 : vector<16xi32>
    %swap3A_437 = arith.constant 336 : index
    %swap3A_438 = tpu.vector_load %arg6[%swap3A_437] {strides = array<i32>} : memref<512xi32, #tpu.memory_space<vmem>>, vector<16xi32>,
    tpu.vector_store %arg6[%swap3A_437], %and3A_436 {strides = array<i32>} : memref<512xi32, #tpu.memory_space<vmem>>, vector<16xi32>,
    %get3A_439 = arith.constant 352 : index
    %get3A_440 = tpu.vector_load %arg5[%get3A_439] {strides = array<i32>} : memref<512xi32, #tpu.memory_space<vmem>>, vector<16xi32>,
    %add3A_441 = arith.constant 352 : i32
    %add3A_442 = arith.addi %mul3A_2, %add3A_441 : i32
    %add3A_443 = vector.broadcast %add3A_442 : i32 to vector<16xi32>
    %add3A_444 = arith.addi %add3A_443, %iota3A : vector<16xi32>
    %mul3A_445 = arith.constant 16384 : i32
    %mul3A_446 = vector.broadcast %mul3A_445 : i32 to vector<16xi32>
    %mul3A_447 = arith.muli %get3A_440, %mul3A_446 : vector<16xi32>
    %add3A_448 = arith.addi %mul3A_447, %add3A_444 : vector<16xi32>
    %shift_right_logical3A_449 = arith.constant 7 : i32
    %shift_right_logical3A_450 = vector.broadcast %shift_right_logical3A_449 : i32 to vector<16xi32>
    %shift_right_logical3A_451 = arith.shrui %add3A_448, %shift_right_logical3A_450 : vector<16xi32>
    %swap3A_452 = arith.constant 96 : index
    %swap3A_453 = tpu.vector_load %arg10[%swap3A_452] {strides = array<i32>} : memref<128xi32, #tpu.memory_space<vmem>>, vector<16xi32>,
    tpu.vector_store %arg10[%swap3A_452], %shift_right_logical3A_451 {strides = array<i32>} : memref<128xi32, #tpu.memory_space<vmem>>, vector<16xi32>,
    %and3A_454 = arith.constant 127 : i32
    %and3A_455 = vector.broadcast %and3A_454 : i32 to vector<16xi32>
    %and3A_456 = arith.andi %add3A_448, %and3A_455 : vector<16xi32>
    %swap3A_457 = arith.constant 352 : index
    %swap3A_458 = tpu.vector_load %arg6[%swap3A_457] {strides = array<i32>} : memref<512xi32, #tpu.memory_space<vmem>>, vector<16xi32>,
    tpu.vector_store %arg6[%swap3A_457], %and3A_456 {strides = array<i32>} : memref<512xi32, #tpu.memory_space<vmem>>, vector<16xi32>,
    %get3A_459 = arith.constant 368 : index
    %get3A_460 = tpu.vector_load %arg5[%get3A_459] {strides = array<i32>} : memref<512xi32, #tpu.memory_space<vmem>>, vector<16xi32>,
    %add3A_461 = arith.constant 368 : i32
    %add3A_462 = arith.addi %mul3A_2, %add3A_461 : i32
    %add3A_463 = vector.broadcast %add3A_462 : i32 to vector<16xi32>
    %add3A_464 = arith.addi %add3A_463, %iota3A : vector<16xi32>
    %mul3A_465 = arith.constant 16384 : i32
    %mul3A_466 = vector.broadcast %mul3A_465 : i32 to vector<16xi32>
    %mul3A_467 = arith.muli %get3A_460, %mul3A_466 : vector<16xi32>
    %add3A_468 = arith.addi %mul3A_467, %add3A_464 : vector<16xi32>
    %shift_right_logical3A_469 = arith.constant 7 : i32
    %shift_right_logical3A_470 = vector.broadcast %shift_right_logical3A_469 : i32 to vector<16xi32>
    %shift_right_logical3A_471 = arith.shrui %add3A_468, %shift_right_logical3A_470 : vector<16xi32>
    %swap3A_472 = arith.constant 112 : index
    %swap3A_473 = tpu.vector_load %arg10[%swap3A_472] {strides = array<i32>} : memref<128xi32, #tpu.memory_space<vmem>>, vector<16xi32>,
    tpu.vector_store %arg10[%swap3A_472], %shift_right_logical3A_471 {strides = array<i32>} : memref<128xi32, #tpu.memory_space<vmem>>, vector<16xi32>,
    %and3A_474 = arith.constant 127 : i32
    %and3A_475 = vector.broadcast %and3A_474 : i32 to vector<16xi32>
    %and3A_476 = arith.andi %add3A_468, %and3A_475 : vector<16xi32>
    %swap3A_477 = arith.constant 368 : index
    %swap3A_478 = tpu.vector_load %arg6[%swap3A_477] {strides = array<i32>} : memref<512xi32, #tpu.memory_space<vmem>>, vector<16xi32>,
    tpu.vector_store %arg6[%swap3A_477], %and3A_476 {strides = array<i32>} : memref<512xi32, #tpu.memory_space<vmem>>, vector<16xi32>,
    %get3A_479 = arith.constant 384 : index
    %get3A_480 = tpu.vector_load %arg5[%get3A_479] {strides = array<i32>} : memref<512xi32, #tpu.memory_space<vmem>>, vector<16xi32>,
    %add3A_481 = arith.constant 384 : i32
    %add3A_482 = arith.addi %mul3A_2, %add3A_481 : i32
    %add3A_483 = vector.broadcast %add3A_482 : i32 to vector<16xi32>
    %add3A_484 = arith.addi %add3A_483, %iota3A : vector<16xi32>
    %mul3A_485 = arith.constant 16384 : i32
    %mul3A_486 = vector.broadcast %mul3A_485 : i32 to vector<16xi32>
    %mul3A_487 = arith.muli %get3A_480, %mul3A_486 : vector<16xi32>
    %add3A_488 = arith.addi %mul3A_487, %add3A_484 : vector<16xi32>
    %shift_right_logical3A_489 = arith.constant 7 : i32
    %shift_right_logical3A_490 = vector.broadcast %shift_right_logical3A_489 : i32 to vector<16xi32>
    %shift_right_logical3A_491 = arith.shrui %add3A_488, %shift_right_logical3A_490 : vector<16xi32>
    %swap3A_492 = arith.constant 0 : index
    %swap3A_493 = tpu.vector_load %arg11[%swap3A_492] {strides = array<i32>} : memref<128xi32, #tpu.memory_space<vmem>>, vector<16xi32>,
    tpu.vector_store %arg11[%swap3A_492], %shift_right_logical3A_491 {strides = array<i32>} : memref<128xi32, #tpu.memory_space<vmem>>, vector<16xi32>,
    %and3A_494 = arith.constant 127 : i32
    %and3A_495 = vector.broadcast %and3A_494 : i32 to vector<16xi32>
    %and3A_496 = arith.andi %add3A_488, %and3A_495 : vector<16xi32>
    %swap3A_497 = arith.constant 384 : index
    %swap3A_498 = tpu.vector_load %arg6[%swap3A_497] {strides = array<i32>} : memref<512xi32, #tpu.memory_space<vmem>>, vector<16xi32>,
    tpu.vector_store %arg6[%swap3A_497], %and3A_496 {strides = array<i32>} : memref<512xi32, #tpu.memory_space<vmem>>, vector<16xi32>,
    %get3A_499 = arith.constant 400 : index
    %get3A_500 = tpu.vector_load %arg5[%get3A_499] {strides = array<i32>} : memref<512xi32, #tpu.memory_space<vmem>>, vector<16xi32>,
    %add3A_501 = arith.constant 400 : i32
    %add3A_502 = arith.addi %mul3A_2, %add3A_501 : i32
    %add3A_503 = vector.broadcast %add3A_502 : i32 to vector<16xi32>
    %add3A_504 = arith.addi %add3A_503, %iota3A : vector<16xi32>
    %mul3A_505 = arith.constant 16384 : i32
    %mul3A_506 = vector.broadcast %mul3A_505 : i32 to vector<16xi32>
    %mul3A_507 = arith.muli %get3A_500, %mul3A_506 : vector<16xi32>
    %add3A_508 = arith.addi %mul3A_507, %add3A_504 : vector<16xi32>
    %shift_right_logical3A_509 = arith.constant 7 : i32
    %shift_right_logical3A_510 = vector.broadcast %shift_right_logical3A_509 : i32 to vector<16xi32>
    %shift_right_logical3A_511 = arith.shrui %add3A_508, %shift_right_logical3A_510 : vector<16xi32>
    %swap3A_512 = arith.constant 16 : index
    %swap3A_513 = tpu.vector_load %arg11[%swap3A_512] {strides = array<i32>} : memref<128xi32, #tpu.memory_space<vmem>>, vector<16xi32>,
    tpu.vector_store %arg11[%swap3A_512], %shift_right_logical3A_511 {strides = array<i32>} : memref<128xi32, #tpu.memory_space<vmem>>, vector<16xi32>,
    %and3A_514 = arith.constant 127 : i32
    %and3A_515 = vector.broadcast %and3A_514 : i32 to vector<16xi32>
    %and3A_516 = arith.andi %add3A_508, %and3A_515 : vector<16xi32>
    %swap3A_517 = arith.constant 400 : index
    %swap3A_518 = tpu.vector_load %arg6[%swap3A_517] {strides = array<i32>} : memref<512xi32, #tpu.memory_space<vmem>>, vector<16xi32>,
    tpu.vector_store %arg6[%swap3A_517], %and3A_516 {strides = array<i32>} : memref<512xi32, #tpu.memory_space<vmem>>, vector<16xi32>,
    %get3A_519 = arith.constant 416 : index
    %get3A_520 = tpu.vector_load %arg5[%get3A_519] {strides = array<i32>} : memref<512xi32, #tpu.memory_space<vmem>>, vector<16xi32>,
    %add3A_521 = arith.constant 416 : i32
    %add3A_522 = arith.addi %mul3A_2, %add3A_521 : i32
    %add3A_523 = vector.broadcast %add3A_522 : i32 to vector<16xi32>
    %add3A_524 = arith.addi %add3A_523, %iota3A : vector<16xi32>
    %mul3A_525 = arith.constant 16384 : i32
    %mul3A_526 = vector.broadcast %mul3A_525 : i32 to vector<16xi32>
    %mul3A_527 = arith.muli %get3A_520, %mul3A_526 : vector<16xi32>
    %add3A_528 = arith.addi %mul3A_527, %add3A_524 : vector<16xi32>
    %shift_right_logical3A_529 = arith.constant 7 : i32
    %shift_right_logical3A_530 = vector.broadcast %shift_right_logical3A_529 : i32 to vector<16xi32>
    %shift_right_logical3A_531 = arith.shrui %add3A_528, %shift_right_logical3A_530 : vector<16xi32>
    %swap3A_532 = arith.constant 32 : index
    %swap3A_533 = tpu.vector_load %arg11[%swap3A_532] {strides = array<i32>} : memref<128xi32, #tpu.memory_space<vmem>>, vector<16xi32>,
    tpu.vector_store %arg11[%swap3A_532], %shift_right_logical3A_531 {strides = array<i32>} : memref<128xi32, #tpu.memory_space<vmem>>, vector<16xi32>,
    %and3A_534 = arith.constant 127 : i32
    %and3A_535 = vector.broadcast %and3A_534 : i32 to vector<16xi32>
    %and3A_536 = arith.andi %add3A_528, %and3A_535 : vector<16xi32>
    %swap3A_537 = arith.constant 416 : index
    %swap3A_538 = tpu.vector_load %arg6[%swap3A_537] {strides = array<i32>} : memref<512xi32, #tpu.memory_space<vmem>>, vector<16xi32>,
    tpu.vector_store %arg6[%swap3A_537], %and3A_536 {strides = array<i32>} : memref<512xi32, #tpu.memory_space<vmem>>, vector<16xi32>,
    %get3A_539 = arith.constant 432 : index
    %get3A_540 = tpu.vector_load %arg5[%get3A_539] {strides = array<i32>} : memref<512xi32, #tpu.memory_space<vmem>>, vector<16xi32>,
    %add3A_541 = arith.constant 432 : i32
    %add3A_542 = arith.addi %mul3A_2, %add3A_541 : i32
    %add3A_543 = vector.broadcast %add3A_542 : i32 to vector<16xi32>
    %add3A_544 = arith.addi %add3A_543, %iota3A : vector<16xi32>
    %mul3A_545 = arith.constant 16384 : i32
    %mul3A_546 = vector.broadcast %mul3A_545 : i32 to vector<16xi32>
    %mul3A_547 = arith.muli %get3A_540, %mul3A_546 : vector<16xi32>
    %add3A_548 = arith.addi %mul3A_547, %add3A_544 : vector<16xi32>
    %shift_right_logical3A_549 = arith.constant 7 : i32
    %shift_right_logical3A_550 = vector.broadcast %shift_right_logical3A_549 : i32 to vector<16xi32>
    %shift_right_logical3A_551 = arith.shrui %add3A_548, %shift_right_logical3A_550 : vector<16xi32>
    %swap3A_552 = arith.constant 48 : index
    %swap3A_553 = tpu.vector_load %arg11[%swap3A_552] {strides = array<i32>} : memref<128xi32, #tpu.memory_space<vmem>>, vector<16xi32>,
    tpu.vector_store %arg11[%swap3A_552], %shift_right_logical3A_551 {strides = array<i32>} : memref<128xi32, #tpu.memory_space<vmem>>, vector<16xi32>,
    %and3A_554 = arith.constant 127 : i32
    %and3A_555 = vector.broadcast %and3A_554 : i32 to vector<16xi32>
    %and3A_556 = arith.andi %add3A_548, %and3A_555 : vector<16xi32>
    %swap3A_557 = arith.constant 432 : index
    %swap3A_558 = tpu.vector_load %arg6[%swap3A_557] {strides = array<i32>} : memref<512xi32, #tpu.memory_space<vmem>>, vector<16xi32>,
    tpu.vector_store %arg6[%swap3A_557], %and3A_556 {strides = array<i32>} : memref<512xi32, #tpu.memory_space<vmem>>, vector<16xi32>,
    %get3A_559 = arith.constant 448 : index
    %get3A_560 = tpu.vector_load %arg5[%get3A_559] {strides = array<i32>} : memref<512xi32, #tpu.memory_space<vmem>>, vector<16xi32>,
    %add3A_561 = arith.constant 448 : i32
    %add3A_562 = arith.addi %mul3A_2, %add3A_561 : i32
    %add3A_563 = vector.broadcast %add3A_562 : i32 to vector<16xi32>
    %add3A_564 = arith.addi %add3A_563, %iota3A : vector<16xi32>
    %mul3A_565 = arith.constant 16384 : i32
    %mul3A_566 = vector.broadcast %mul3A_565 : i32 to vector<16xi32>
    %mul3A_567 = arith.muli %get3A_560, %mul3A_566 : vector<16xi32>
    %add3A_568 = arith.addi %mul3A_567, %add3A_564 : vector<16xi32>
    %shift_right_logical3A_569 = arith.constant 7 : i32
    %shift_right_logical3A_570 = vector.broadcast %shift_right_logical3A_569 : i32 to vector<16xi32>
    %shift_right_logical3A_571 = arith.shrui %add3A_568, %shift_right_logical3A_570 : vector<16xi32>
    %swap3A_572 = arith.constant 64 : index
    %swap3A_573 = tpu.vector_load %arg11[%swap3A_572] {strides = array<i32>} : memref<128xi32, #tpu.memory_space<vmem>>, vector<16xi32>,
    tpu.vector_store %arg11[%swap3A_572], %shift_right_logical3A_571 {strides = array<i32>} : memref<128xi32, #tpu.memory_space<vmem>>, vector<16xi32>,
    %and3A_574 = arith.constant 127 : i32
    %and3A_575 = vector.broadcast %and3A_574 : i32 to vector<16xi32>
    %and3A_576 = arith.andi %add3A_568, %and3A_575 : vector<16xi32>
    %swap3A_577 = arith.constant 448 : index
    %swap3A_578 = tpu.vector_load %arg6[%swap3A_577] {strides = array<i32>} : memref<512xi32, #tpu.memory_space<vmem>>, vector<16xi32>,
    tpu.vector_store %arg6[%swap3A_577], %and3A_576 {strides = array<i32>} : memref<512xi32, #tpu.memory_space<vmem>>, vector<16xi32>,
    %get3A_579 = arith.constant 464 : index
    %get3A_580 = tpu.vector_load %arg5[%get3A_579] {strides = array<i32>} : memref<512xi32, #tpu.memory_space<vmem>>, vector<16xi32>,
    %add3A_581 = arith.constant 464 : i32
    %add3A_582 = arith.addi %mul3A_2, %add3A_581 : i32
    %add3A_583 = vector.broadcast %add3A_582 : i32 to vector<16xi32>
    %add3A_584 = arith.addi %add3A_583, %iota3A : vector<16xi32>
    %mul3A_585 = arith.constant 16384 : i32
    %mul3A_586 = vector.broadcast %mul3A_585 : i32 to vector<16xi32>
    %mul3A_587 = arith.muli %get3A_580, %mul3A_586 : vector<16xi32>
    %add3A_588 = arith.addi %mul3A_587, %add3A_584 : vector<16xi32>
    %shift_right_logical3A_589 = arith.constant 7 : i32
    %shift_right_logical3A_590 = vector.broadcast %shift_right_logical3A_589 : i32 to vector<16xi32>
    %shift_right_logical3A_591 = arith.shrui %add3A_588, %shift_right_logical3A_590 : vector<16xi32>
    %swap3A_592 = arith.constant 80 : index
    %swap3A_593 = tpu.vector_load %arg11[%swap3A_592] {strides = array<i32>} : memref<128xi32, #tpu.memory_space<vmem>>, vector<16xi32>,
    tpu.vector_store %arg11[%swap3A_592], %shift_right_logical3A_591 {strides = array<i32>} : memref<128xi32, #tpu.memory_space<vmem>>, vector<16xi32>,
    %and3A_594 = arith.constant 127 : i32
    %and3A_595 = vector.broadcast %and3A_594 : i32 to vector<16xi32>
    %and3A_596 = arith.andi %add3A_588, %and3A_595 : vector<16xi32>
    %swap3A_597 = arith.constant 464 : index
    %swap3A_598 = tpu.vector_load %arg6[%swap3A_597] {strides = array<i32>} : memref<512xi32, #tpu.memory_space<vmem>>, vector<16xi32>,
    tpu.vector_store %arg6[%swap3A_597], %and3A_596 {strides = array<i32>} : memref<512xi32, #tpu.memory_space<vmem>>, vector<16xi32>,
    %get3A_599 = arith.constant 480 : index
    %get3A_600 = tpu.vector_load %arg5[%get3A_599] {strides = array<i32>} : memref<512xi32, #tpu.memory_space<vmem>>, vector<16xi32>,
    %add3A_601 = arith.constant 480 : i32
    %add3A_602 = arith.addi %mul3A_2, %add3A_601 : i32
    %add3A_603 = vector.broadcast %add3A_602 : i32 to vector<16xi32>
    %add3A_604 = arith.addi %add3A_603, %iota3A : vector<16xi32>
    %mul3A_605 = arith.constant 16384 : i32
    %mul3A_606 = vector.broadcast %mul3A_605 : i32 to vector<16xi32>
    %mul3A_607 = arith.muli %get3A_600, %mul3A_606 : vector<16xi32>
    %add3A_608 = arith.addi %mul3A_607, %add3A_604 : vector<16xi32>
    %shift_right_logical3A_609 = arith.constant 7 : i32
    %shift_right_logical3A_610 = vector.broadcast %shift_right_logical3A_609 : i32 to vector<16xi32>
    %shift_right_logical3A_611 = arith.shrui %add3A_608, %shift_right_logical3A_610 : vector<16xi32>
    %swap3A_612 = arith.constant 96 : index
    %swap3A_613 = tpu.vector_load %arg11[%swap3A_612] {strides = array<i32>} : memref<128xi32, #tpu.memory_space<vmem>>, vector<16xi32>,
    tpu.vector_store %arg11[%swap3A_612], %shift_right_logical3A_611 {strides = array<i32>} : memref<128xi32, #tpu.memory_space<vmem>>, vector<16xi32>,
    %and3A_614 = arith.constant 127 : i32
    %and3A_615 = vector.broadcast %and3A_614 : i32 to vector<16xi32>
    %and3A_616 = arith.andi %add3A_608, %and3A_615 : vector<16xi32>
    %swap3A_617 = arith.constant 480 : index
    %swap3A_618 = tpu.vector_load %arg6[%swap3A_617] {strides = array<i32>} : memref<512xi32, #tpu.memory_space<vmem>>, vector<16xi32>,
    tpu.vector_store %arg6[%swap3A_617], %and3A_616 {strides = array<i32>} : memref<512xi32, #tpu.memory_space<vmem>>, vector<16xi32>,
    %get3A_619 = arith.constant 496 : index
    %get3A_620 = tpu.vector_load %arg5[%get3A_619] {strides = array<i32>} : memref<512xi32, #tpu.memory_space<vmem>>, vector<16xi32>,
    %add3A_621 = arith.constant 496 : i32
    %add3A_622 = arith.addi %mul3A_2, %add3A_621 : i32
    %add3A_623 = vector.broadcast %add3A_622 : i32 to vector<16xi32>
    %add3A_624 = arith.addi %add3A_623, %iota3A : vector<16xi32>
    %mul3A_625 = arith.constant 16384 : i32
    %mul3A_626 = vector.broadcast %mul3A_625 : i32 to vector<16xi32>
    %mul3A_627 = arith.muli %get3A_620, %mul3A_626 : vector<16xi32>
    %add3A_628 = arith.addi %mul3A_627, %add3A_624 : vector<16xi32>
    %shift_right_logical3A_629 = arith.constant 7 : i32
    %shift_right_logical3A_630 = vector.broadcast %shift_right_logical3A_629 : i32 to vector<16xi32>
    %shift_right_logical3A_631 = arith.shrui %add3A_628, %shift_right_logical3A_630 : vector<16xi32>
    %swap3A_632 = arith.constant 112 : index
    %swap3A_633 = tpu.vector_load %arg11[%swap3A_632] {strides = array<i32>} : memref<128xi32, #tpu.memory_space<vmem>>, vector<16xi32>,
    tpu.vector_store %arg11[%swap3A_632], %shift_right_logical3A_631 {strides = array<i32>} : memref<128xi32, #tpu.memory_space<vmem>>, vector<16xi32>,
    %and3A_634 = arith.constant 127 : i32
    %and3A_635 = vector.broadcast %and3A_634 : i32 to vector<16xi32>
    %and3A_636 = arith.andi %add3A_628, %and3A_635 : vector<16xi32>
    %swap3A_637 = arith.constant 496 : index
    %swap3A_638 = tpu.vector_load %arg6[%swap3A_637] {strides = array<i32>} : memref<512xi32, #tpu.memory_space<vmem>>, vector<16xi32>,
    tpu.vector_store %arg6[%swap3A_637], %and3A_636 {strides = array<i32>} : memref<512xi32, #tpu.memory_space<vmem>>, vector<16xi32>,
    %dma_start3A = arith.constant 0 : i32
    %dma_start3A_639 = arith.constant 0 : i32
    %dma_start3A_640 = tpu.memref_slice %arg2[%dma_start3A, %dma_start3A_639] : memref<128000x128xf32, #tpu.memory_space<hbm>> -> memref<128000x128xf32, #tpu.memory_space<hbm>>
    tpu.enqueue_indirect_dma source(%dma_start3A_640 : memref<128000x128xf32, #tpu.memory_space<hbm>>) target(%arg12 : memref<128x128xf32, #tpu.memory_space<vmem>>) offsets(%arg8 : memref<128xi32, #tpu.memory_space<vmem>>) semaphore(%arg16 : memref<!tpu.dma_semaphore, #tpu.memory_space<semaphore_mem>>)
    %dma_start3A_641 = arith.constant 0 : i32
    %dma_start3A_642 = arith.constant 0 : i32
    %dma_start3A_643 = tpu.memref_slice %arg2[%dma_start3A_641, %dma_start3A_642] : memref<128000x128xf32, #tpu.memory_space<hbm>> -> memref<128000x128xf32, #tpu.memory_space<hbm>>
    tpu.enqueue_indirect_dma source(%dma_start3A_643 : memref<128000x128xf32, #tpu.memory_space<hbm>>) target(%arg13 : memref<128x128xf32, #tpu.memory_space<vmem>>) offsets(%arg9 : memref<128xi32, #tpu.memory_space<vmem>>) semaphore(%arg16 : memref<!tpu.dma_semaphore, #tpu.memory_space<semaphore_mem>>)
    %dma_start3A_644 = arith.constant 0 : i32
    %dma_start3A_645 = arith.constant 0 : i32
    %dma_start3A_646 = tpu.memref_slice %arg2[%dma_start3A_644, %dma_start3A_645] : memref<128000x128xf32, #tpu.memory_space<hbm>> -> memref<128000x128xf32, #tpu.memory_space<hbm>>
    tpu.enqueue_indirect_dma source(%dma_start3A_646 : memref<128000x128xf32, #tpu.memory_space<hbm>>) target(%arg14 : memref<128x128xf32, #tpu.memory_space<vmem>>) offsets(%arg10 : memref<128xi32, #tpu.memory_space<vmem>>) semaphore(%arg16 : memref<!tpu.dma_semaphore, #tpu.memory_space<semaphore_mem>>)
    %dma_start3A_647 = arith.constant 0 : i32
    %dma_start3A_648 = arith.constant 0 : i32
    %dma_start3A_649 = tpu.memref_slice %arg2[%dma_start3A_647, %dma_start3A_648] : memref<128000x128xf32, #tpu.memory_space<hbm>> -> memref<128000x128xf32, #tpu.memory_space<hbm>>
    tpu.enqueue_indirect_dma source(%dma_start3A_649 : memref<128000x128xf32, #tpu.memory_space<hbm>>) target(%arg15 : memref<128x128xf32, #tpu.memory_space<vmem>>) offsets(%arg11 : memref<128xi32, #tpu.memory_space<vmem>>) semaphore(%arg16 : memref<!tpu.dma_semaphore, #tpu.memory_space<semaphore_mem>>)
    %dma_wait3A = arith.constant 0 : i32
    %dma_wait3A_650 = arith.constant 0 : i32
    %dma_wait3A_651 = tpu.memref_slice %arg2[%dma_wait3A, %dma_wait3A_650] : memref<128000x128xf32, #tpu.memory_space<hbm>> -> memref<128000x128xf32, #tpu.memory_space<hbm>>
    tpu.wait_indirect_dma semaphore(%arg16 : memref<!tpu.dma_semaphore, #tpu.memory_space<semaphore_mem>>) src(%dma_wait3A_651 : memref<128000x128xf32, #tpu.memory_space<hbm>>) dst(%arg12 : memref<128x128xf32, #tpu.memory_space<vmem>>)
    %dma_wait3A_652 = arith.constant 0 : i32
    %dma_wait3A_653 = arith.constant 0 : i32
    %dma_wait3A_654 = tpu.memref_slice %arg2[%dma_wait3A_652, %dma_wait3A_653] : memref<128000x128xf32, #tpu.memory_space<hbm>> -> memref<128000x128xf32, #tpu.memory_space<hbm>>
    tpu.wait_indirect_dma semaphore(%arg16 : memref<!tpu.dma_semaphore, #tpu.memory_space<semaphore_mem>>) src(%dma_wait3A_654 : memref<128000x128xf32, #tpu.memory_space<hbm>>) dst(%arg13 : memref<128x128xf32, #tpu.memory_space<vmem>>)
    %dma_wait3A_655 = arith.constant 0 : i32
    %dma_wait3A_656 = arith.constant 0 : i32
    %dma_wait3A_657 = tpu.memref_slice %arg2[%dma_wait3A_655, %dma_wait3A_656] : memref<128000x128xf32, #tpu.memory_space<hbm>> -> memref<128000x128xf32, #tpu.memory_space<hbm>>
    tpu.wait_indirect_dma semaphore(%arg16 : memref<!tpu.dma_semaphore, #tpu.memory_space<semaphore_mem>>) src(%dma_wait3A_657 : memref<128000x128xf32, #tpu.memory_space<hbm>>) dst(%arg14 : memref<128x128xf32, #tpu.memory_space<vmem>>)
    %dma_wait3A_658 = arith.constant 0 : i32
    %dma_wait3A_659 = arith.constant 0 : i32
    %dma_wait3A_660 = tpu.memref_slice %arg2[%dma_wait3A_658, %dma_wait3A_659] : memref<128000x128xf32, #tpu.memory_space<hbm>> -> memref<128000x128xf32, #tpu.memory_space<hbm>>
    tpu.wait_indirect_dma semaphore(%arg16 : memref<!tpu.dma_semaphore, #tpu.memory_space<semaphore_mem>>) src(%dma_wait3A_660 : memref<128000x128xf32, #tpu.memory_space<hbm>>) dst(%arg15 : memref<128x128xf32, #tpu.memory_space<vmem>>)
    %add3A_661 = arith.constant 0 : i32
    %add3A_662 = vector.broadcast %add3A_661 : i32 to vector<16xi32>
    %add3A_663 = arith.addi %add3A_662, %iota3A : vector<16xi32>
    %get3A_664 = arith.constant 0 : index
    %get3A_665 = tpu.vector_load %arg6[%get3A_664] {strides = array<i32>} : memref<512xi32, #tpu.memory_space<vmem>>, vector<16xi32>,
    %gather3A = tpu.vector_load_idx %arg12[%add3A_663, %get3A_665] : memref<128x128xf32, #tpu.memory_space<vmem>>[vector<16xi32>, vector<16xi32>], vector<16xf32>,
    %swap3A_666 = arith.constant 0 : index
    %swap3A_667 = tpu.vector_load %arg7[%swap3A_666] {strides = array<i32>} : memref<512xf32, #tpu.memory_space<vmem>>, vector<16xf32>,
    tpu.vector_store %arg7[%swap3A_666], %gather3A {strides = array<i32>} : memref<512xf32, #tpu.memory_space<vmem>>, vector<16xf32>,
    %add3A_668 = arith.constant 16 : i32
    %add3A_669 = vector.broadcast %add3A_668 : i32 to vector<16xi32>
    %add3A_670 = arith.addi %add3A_669, %iota3A : vector<16xi32>
    %get3A_671 = arith.constant 16 : index
    %get3A_672 = tpu.vector_load %arg6[%get3A_671] {strides = array<i32>} : memref<512xi32, #tpu.memory_space<vmem>>, vector<16xi32>,
    %gather3A_673 = tpu.vector_load_idx %arg12[%add3A_670, %get3A_672] : memref<128x128xf32, #tpu.memory_space<vmem>>[vector<16xi32>, vector<16xi32>], vector<16xf32>,
    %swap3A_674 = arith.constant 16 : index
    %swap3A_675 = tpu.vector_load %arg7[%swap3A_674] {strides = array<i32>} : memref<512xf32, #tpu.memory_space<vmem>>, vector<16xf32>,
    tpu.vector_store %arg7[%swap3A_674], %gather3A_673 {strides = array<i32>} : memref<512xf32, #tpu.memory_space<vmem>>, vector<16xf32>,
    %add3A_676 = arith.constant 32 : i32
    %add3A_677 = vector.broadcast %add3A_676 : i32 to vector<16xi32>
    %add3A_678 = arith.addi %add3A_677, %iota3A : vector<16xi32>
    %get3A_679 = arith.constant 32 : index
    %get3A_680 = tpu.vector_load %arg6[%get3A_679] {strides = array<i32>} : memref<512xi32, #tpu.memory_space<vmem>>, vector<16xi32>,
    %gather3A_681 = tpu.vector_load_idx %arg12[%add3A_678, %get3A_680] : memref<128x128xf32, #tpu.memory_space<vmem>>[vector<16xi32>, vector<16xi32>], vector<16xf32>,
    %swap3A_682 = arith.constant 32 : index
    %swap3A_683 = tpu.vector_load %arg7[%swap3A_682] {strides = array<i32>} : memref<512xf32, #tpu.memory_space<vmem>>, vector<16xf32>,
    tpu.vector_store %arg7[%swap3A_682], %gather3A_681 {strides = array<i32>} : memref<512xf32, #tpu.memory_space<vmem>>, vector<16xf32>,
    %add3A_684 = arith.constant 48 : i32
    %add3A_685 = vector.broadcast %add3A_684 : i32 to vector<16xi32>
    %add3A_686 = arith.addi %add3A_685, %iota3A : vector<16xi32>
    %get3A_687 = arith.constant 48 : index
    %get3A_688 = tpu.vector_load %arg6[%get3A_687] {strides = array<i32>} : memref<512xi32, #tpu.memory_space<vmem>>, vector<16xi32>,
    %gather3A_689 = tpu.vector_load_idx %arg12[%add3A_686, %get3A_688] : memref<128x128xf32, #tpu.memory_space<vmem>>[vector<16xi32>, vector<16xi32>], vector<16xf32>,
    %swap3A_690 = arith.constant 48 : index
    %swap3A_691 = tpu.vector_load %arg7[%swap3A_690] {strides = array<i32>} : memref<512xf32, #tpu.memory_space<vmem>>, vector<16xf32>,
    tpu.vector_store %arg7[%swap3A_690], %gather3A_689 {strides = array<i32>} : memref<512xf32, #tpu.memory_space<vmem>>, vector<16xf32>,
    %add3A_692 = arith.constant 64 : i32
    %add3A_693 = vector.broadcast %add3A_692 : i32 to vector<16xi32>
    %add3A_694 = arith.addi %add3A_693, %iota3A : vector<16xi32>
    %get3A_695 = arith.constant 64 : index
    %get3A_696 = tpu.vector_load %arg6[%get3A_695] {strides = array<i32>} : memref<512xi32, #tpu.memory_space<vmem>>, vector<16xi32>,
    %gather3A_697 = tpu.vector_load_idx %arg12[%add3A_694, %get3A_696] : memref<128x128xf32, #tpu.memory_space<vmem>>[vector<16xi32>, vector<16xi32>], vector<16xf32>,
    %swap3A_698 = arith.constant 64 : index
    %swap3A_699 = tpu.vector_load %arg7[%swap3A_698] {strides = array<i32>} : memref<512xf32, #tpu.memory_space<vmem>>, vector<16xf32>,
    tpu.vector_store %arg7[%swap3A_698], %gather3A_697 {strides = array<i32>} : memref<512xf32, #tpu.memory_space<vmem>>, vector<16xf32>,
    %add3A_700 = arith.constant 80 : i32
    %add3A_701 = vector.broadcast %add3A_700 : i32 to vector<16xi32>
    %add3A_702 = arith.addi %add3A_701, %iota3A : vector<16xi32>
    %get3A_703 = arith.constant 80 : index
    %get3A_704 = tpu.vector_load %arg6[%get3A_703] {strides = array<i32>} : memref<512xi32, #tpu.memory_space<vmem>>, vector<16xi32>,
    %gather3A_705 = tpu.vector_load_idx %arg12[%add3A_702, %get3A_704] : memref<128x128xf32, #tpu.memory_space<vmem>>[vector<16xi32>, vector<16xi32>], vector<16xf32>,
    %swap3A_706 = arith.constant 80 : index
    %swap3A_707 = tpu.vector_load %arg7[%swap3A_706] {strides = array<i32>} : memref<512xf32, #tpu.memory_space<vmem>>, vector<16xf32>,
    tpu.vector_store %arg7[%swap3A_706], %gather3A_705 {strides = array<i32>} : memref<512xf32, #tpu.memory_space<vmem>>, vector<16xf32>,
    %add3A_708 = arith.constant 96 : i32
    %add3A_709 = vector.broadcast %add3A_708 : i32 to vector<16xi32>
    %add3A_710 = arith.addi %add3A_709, %iota3A : vector<16xi32>
    %get3A_711 = arith.constant 96 : index
    %get3A_712 = tpu.vector_load %arg6[%get3A_711] {strides = array<i32>} : memref<512xi32, #tpu.memory_space<vmem>>, vector<16xi32>,
    %gather3A_713 = tpu.vector_load_idx %arg12[%add3A_710, %get3A_712] : memref<128x128xf32, #tpu.memory_space<vmem>>[vector<16xi32>, vector<16xi32>], vector<16xf32>,
    %swap3A_714 = arith.constant 96 : index
    %swap3A_715 = tpu.vector_load %arg7[%swap3A_714] {strides = array<i32>} : memref<512xf32, #tpu.memory_space<vmem>>, vector<16xf32>,
    tpu.vector_store %arg7[%swap3A_714], %gather3A_713 {strides = array<i32>} : memref<512xf32, #tpu.memory_space<vmem>>, vector<16xf32>,
    %add3A_716 = arith.constant 112 : i32
    %add3A_717 = vector.broadcast %add3A_716 : i32 to vector<16xi32>
    %add3A_718 = arith.addi %add3A_717, %iota3A : vector<16xi32>
    %get3A_719 = arith.constant 112 : index
    %get3A_720 = tpu.vector_load %arg6[%get3A_719] {strides = array<i32>} : memref<512xi32, #tpu.memory_space<vmem>>, vector<16xi32>,
    %gather3A_721 = tpu.vector_load_idx %arg12[%add3A_718, %get3A_720] : memref<128x128xf32, #tpu.memory_space<vmem>>[vector<16xi32>, vector<16xi32>], vector<16xf32>,
    %swap3A_722 = arith.constant 112 : index
    %swap3A_723 = tpu.vector_load %arg7[%swap3A_722] {strides = array<i32>} : memref<512xf32, #tpu.memory_space<vmem>>, vector<16xf32>,
    tpu.vector_store %arg7[%swap3A_722], %gather3A_721 {strides = array<i32>} : memref<512xf32, #tpu.memory_space<vmem>>, vector<16xf32>,
    %add3A_724 = arith.constant 0 : i32
    %add3A_725 = vector.broadcast %add3A_724 : i32 to vector<16xi32>
    %add3A_726 = arith.addi %add3A_725, %iota3A : vector<16xi32>
    %get3A_727 = arith.constant 128 : index
    %get3A_728 = tpu.vector_load %arg6[%get3A_727] {strides = array<i32>} : memref<512xi32, #tpu.memory_space<vmem>>, vector<16xi32>,
    %gather3A_729 = tpu.vector_load_idx %arg13[%add3A_726, %get3A_728] : memref<128x128xf32, #tpu.memory_space<vmem>>[vector<16xi32>, vector<16xi32>], vector<16xf32>,
    %swap3A_730 = arith.constant 128 : index
    %swap3A_731 = tpu.vector_load %arg7[%swap3A_730] {strides = array<i32>} : memref<512xf32, #tpu.memory_space<vmem>>, vector<16xf32>,
    tpu.vector_store %arg7[%swap3A_730], %gather3A_729 {strides = array<i32>} : memref<512xf32, #tpu.memory_space<vmem>>, vector<16xf32>,
    %add3A_732 = arith.constant 16 : i32
    %add3A_733 = vector.broadcast %add3A_732 : i32 to vector<16xi32>
    %add3A_734 = arith.addi %add3A_733, %iota3A : vector<16xi32>
    %get3A_735 = arith.constant 144 : index
    %get3A_736 = tpu.vector_load %arg6[%get3A_735] {strides = array<i32>} : memref<512xi32, #tpu.memory_space<vmem>>, vector<16xi32>,
    %gather3A_737 = tpu.vector_load_idx %arg13[%add3A_734, %get3A_736] : memref<128x128xf32, #tpu.memory_space<vmem>>[vector<16xi32>, vector<16xi32>], vector<16xf32>,
    %swap3A_738 = arith.constant 144 : index
    %swap3A_739 = tpu.vector_load %arg7[%swap3A_738] {strides = array<i32>} : memref<512xf32, #tpu.memory_space<vmem>>, vector<16xf32>,
    tpu.vector_store %arg7[%swap3A_738], %gather3A_737 {strides = array<i32>} : memref<512xf32, #tpu.memory_space<vmem>>, vector<16xf32>,
    %add3A_740 = arith.constant 32 : i32
    %add3A_741 = vector.broadcast %add3A_740 : i32 to vector<16xi32>
    %add3A_742 = arith.addi %add3A_741, %iota3A : vector<16xi32>
    %get3A_743 = arith.constant 160 : index
    %get3A_744 = tpu.vector_load %arg6[%get3A_743] {strides = array<i32>} : memref<512xi32, #tpu.memory_space<vmem>>, vector<16xi32>,
    %gather3A_745 = tpu.vector_load_idx %arg13[%add3A_742, %get3A_744] : memref<128x128xf32, #tpu.memory_space<vmem>>[vector<16xi32>, vector<16xi32>], vector<16xf32>,
    %swap3A_746 = arith.constant 160 : index
    %swap3A_747 = tpu.vector_load %arg7[%swap3A_746] {strides = array<i32>} : memref<512xf32, #tpu.memory_space<vmem>>, vector<16xf32>,
    tpu.vector_store %arg7[%swap3A_746], %gather3A_745 {strides = array<i32>} : memref<512xf32, #tpu.memory_space<vmem>>, vector<16xf32>,
    %add3A_748 = arith.constant 48 : i32
    %add3A_749 = vector.broadcast %add3A_748 : i32 to vector<16xi32>
    %add3A_750 = arith.addi %add3A_749, %iota3A : vector<16xi32>
    %get3A_751 = arith.constant 176 : index
    %get3A_752 = tpu.vector_load %arg6[%get3A_751] {strides = array<i32>} : memref<512xi32, #tpu.memory_space<vmem>>, vector<16xi32>,
    %gather3A_753 = tpu.vector_load_idx %arg13[%add3A_750, %get3A_752] : memref<128x128xf32, #tpu.memory_space<vmem>>[vector<16xi32>, vector<16xi32>], vector<16xf32>,
    %swap3A_754 = arith.constant 176 : index
    %swap3A_755 = tpu.vector_load %arg7[%swap3A_754] {strides = array<i32>} : memref<512xf32, #tpu.memory_space<vmem>>, vector<16xf32>,
    tpu.vector_store %arg7[%swap3A_754], %gather3A_753 {strides = array<i32>} : memref<512xf32, #tpu.memory_space<vmem>>, vector<16xf32>,
    %add3A_756 = arith.constant 64 : i32
    %add3A_757 = vector.broadcast %add3A_756 : i32 to vector<16xi32>
    %add3A_758 = arith.addi %add3A_757, %iota3A : vector<16xi32>
    %get3A_759 = arith.constant 192 : index
    %get3A_760 = tpu.vector_load %arg6[%get3A_759] {strides = array<i32>} : memref<512xi32, #tpu.memory_space<vmem>>, vector<16xi32>,
    %gather3A_761 = tpu.vector_load_idx %arg13[%add3A_758, %get3A_760] : memref<128x128xf32, #tpu.memory_space<vmem>>[vector<16xi32>, vector<16xi32>], vector<16xf32>,
    %swap3A_762 = arith.constant 192 : index
    %swap3A_763 = tpu.vector_load %arg7[%swap3A_762] {strides = array<i32>} : memref<512xf32, #tpu.memory_space<vmem>>, vector<16xf32>,
    tpu.vector_store %arg7[%swap3A_762], %gather3A_761 {strides = array<i32>} : memref<512xf32, #tpu.memory_space<vmem>>, vector<16xf32>,
    %add3A_764 = arith.constant 80 : i32
    %add3A_765 = vector.broadcast %add3A_764 : i32 to vector<16xi32>
    %add3A_766 = arith.addi %add3A_765, %iota3A : vector<16xi32>
    %get3A_767 = arith.constant 208 : index
    %get3A_768 = tpu.vector_load %arg6[%get3A_767] {strides = array<i32>} : memref<512xi32, #tpu.memory_space<vmem>>, vector<16xi32>,
    %gather3A_769 = tpu.vector_load_idx %arg13[%add3A_766, %get3A_768] : memref<128x128xf32, #tpu.memory_space<vmem>>[vector<16xi32>, vector<16xi32>], vector<16xf32>,
    %swap3A_770 = arith.constant 208 : index
    %swap3A_771 = tpu.vector_load %arg7[%swap3A_770] {strides = array<i32>} : memref<512xf32, #tpu.memory_space<vmem>>, vector<16xf32>,
    tpu.vector_store %arg7[%swap3A_770], %gather3A_769 {strides = array<i32>} : memref<512xf32, #tpu.memory_space<vmem>>, vector<16xf32>,
    %add3A_772 = arith.constant 96 : i32
    %add3A_773 = vector.broadcast %add3A_772 : i32 to vector<16xi32>
    %add3A_774 = arith.addi %add3A_773, %iota3A : vector<16xi32>
    %get3A_775 = arith.constant 224 : index
    %get3A_776 = tpu.vector_load %arg6[%get3A_775] {strides = array<i32>} : memref<512xi32, #tpu.memory_space<vmem>>, vector<16xi32>,
    %gather3A_777 = tpu.vector_load_idx %arg13[%add3A_774, %get3A_776] : memref<128x128xf32, #tpu.memory_space<vmem>>[vector<16xi32>, vector<16xi32>], vector<16xf32>,
    %swap3A_778 = arith.constant 224 : index
    %swap3A_779 = tpu.vector_load %arg7[%swap3A_778] {strides = array<i32>} : memref<512xf32, #tpu.memory_space<vmem>>, vector<16xf32>,
    tpu.vector_store %arg7[%swap3A_778], %gather3A_777 {strides = array<i32>} : memref<512xf32, #tpu.memory_space<vmem>>, vector<16xf32>,
    %add3A_780 = arith.constant 112 : i32
    %add3A_781 = vector.broadcast %add3A_780 : i32 to vector<16xi32>
    %add3A_782 = arith.addi %add3A_781, %iota3A : vector<16xi32>
    %get3A_783 = arith.constant 240 : index
    %get3A_784 = tpu.vector_load %arg6[%get3A_783] {strides = array<i32>} : memref<512xi32, #tpu.memory_space<vmem>>, vector<16xi32>,
    %gather3A_785 = tpu.vector_load_idx %arg13[%add3A_782, %get3A_784] : memref<128x128xf32, #tpu.memory_space<vmem>>[vector<16xi32>, vector<16xi32>], vector<16xf32>,
    %swap3A_786 = arith.constant 240 : index
    %swap3A_787 = tpu.vector_load %arg7[%swap3A_786] {strides = array<i32>} : memref<512xf32, #tpu.memory_space<vmem>>, vector<16xf32>,
    tpu.vector_store %arg7[%swap3A_786], %gather3A_785 {strides = array<i32>} : memref<512xf32, #tpu.memory_space<vmem>>, vector<16xf32>,
    %add3A_788 = arith.constant 0 : i32
    %add3A_789 = vector.broadcast %add3A_788 : i32 to vector<16xi32>
    %add3A_790 = arith.addi %add3A_789, %iota3A : vector<16xi32>
    %get3A_791 = arith.constant 256 : index
    %get3A_792 = tpu.vector_load %arg6[%get3A_791] {strides = array<i32>} : memref<512xi32, #tpu.memory_space<vmem>>, vector<16xi32>,
    %gather3A_793 = tpu.vector_load_idx %arg14[%add3A_790, %get3A_792] : memref<128x128xf32, #tpu.memory_space<vmem>>[vector<16xi32>, vector<16xi32>], vector<16xf32>,
    %swap3A_794 = arith.constant 256 : index
    %swap3A_795 = tpu.vector_load %arg7[%swap3A_794] {strides = array<i32>} : memref<512xf32, #tpu.memory_space<vmem>>, vector<16xf32>,
    tpu.vector_store %arg7[%swap3A_794], %gather3A_793 {strides = array<i32>} : memref<512xf32, #tpu.memory_space<vmem>>, vector<16xf32>,
    %add3A_796 = arith.constant 16 : i32
    %add3A_797 = vector.broadcast %add3A_796 : i32 to vector<16xi32>
    %add3A_798 = arith.addi %add3A_797, %iota3A : vector<16xi32>
    %get3A_799 = arith.constant 272 : index
    %get3A_800 = tpu.vector_load %arg6[%get3A_799] {strides = array<i32>} : memref<512xi32, #tpu.memory_space<vmem>>, vector<16xi32>,
    %gather3A_801 = tpu.vector_load_idx %arg14[%add3A_798, %get3A_800] : memref<128x128xf32, #tpu.memory_space<vmem>>[vector<16xi32>, vector<16xi32>], vector<16xf32>,
    %swap3A_802 = arith.constant 272 : index
    %swap3A_803 = tpu.vector_load %arg7[%swap3A_802] {strides = array<i32>} : memref<512xf32, #tpu.memory_space<vmem>>, vector<16xf32>,
    tpu.vector_store %arg7[%swap3A_802], %gather3A_801 {strides = array<i32>} : memref<512xf32, #tpu.memory_space<vmem>>, vector<16xf32>,
    %add3A_804 = arith.constant 32 : i32
    %add3A_805 = vector.broadcast %add3A_804 : i32 to vector<16xi32>
    %add3A_806 = arith.addi %add3A_805, %iota3A : vector<16xi32>
    %get3A_807 = arith.constant 288 : index
    %get3A_808 = tpu.vector_load %arg6[%get3A_807] {strides = array<i32>} : memref<512xi32, #tpu.memory_space<vmem>>, vector<16xi32>,
    %gather3A_809 = tpu.vector_load_idx %arg14[%add3A_806, %get3A_808] : memref<128x128xf32, #tpu.memory_space<vmem>>[vector<16xi32>, vector<16xi32>], vector<16xf32>,
    %swap3A_810 = arith.constant 288 : index
    %swap3A_811 = tpu.vector_load %arg7[%swap3A_810] {strides = array<i32>} : memref<512xf32, #tpu.memory_space<vmem>>, vector<16xf32>,
    tpu.vector_store %arg7[%swap3A_810], %gather3A_809 {strides = array<i32>} : memref<512xf32, #tpu.memory_space<vmem>>, vector<16xf32>,
    %add3A_812 = arith.constant 48 : i32
    %add3A_813 = vector.broadcast %add3A_812 : i32 to vector<16xi32>
    %add3A_814 = arith.addi %add3A_813, %iota3A : vector<16xi32>
    %get3A_815 = arith.constant 304 : index
    %get3A_816 = tpu.vector_load %arg6[%get3A_815] {strides = array<i32>} : memref<512xi32, #tpu.memory_space<vmem>>, vector<16xi32>,
    %gather3A_817 = tpu.vector_load_idx %arg14[%add3A_814, %get3A_816] : memref<128x128xf32, #tpu.memory_space<vmem>>[vector<16xi32>, vector<16xi32>], vector<16xf32>,
    %swap3A_818 = arith.constant 304 : index
    %swap3A_819 = tpu.vector_load %arg7[%swap3A_818] {strides = array<i32>} : memref<512xf32, #tpu.memory_space<vmem>>, vector<16xf32>,
    tpu.vector_store %arg7[%swap3A_818], %gather3A_817 {strides = array<i32>} : memref<512xf32, #tpu.memory_space<vmem>>, vector<16xf32>,
    %add3A_820 = arith.constant 64 : i32
    %add3A_821 = vector.broadcast %add3A_820 : i32 to vector<16xi32>
    %add3A_822 = arith.addi %add3A_821, %iota3A : vector<16xi32>
    %get3A_823 = arith.constant 320 : index
    %get3A_824 = tpu.vector_load %arg6[%get3A_823] {strides = array<i32>} : memref<512xi32, #tpu.memory_space<vmem>>, vector<16xi32>,
    %gather3A_825 = tpu.vector_load_idx %arg14[%add3A_822, %get3A_824] : memref<128x128xf32, #tpu.memory_space<vmem>>[vector<16xi32>, vector<16xi32>], vector<16xf32>,
    %swap3A_826 = arith.constant 320 : index
    %swap3A_827 = tpu.vector_load %arg7[%swap3A_826] {strides = array<i32>} : memref<512xf32, #tpu.memory_space<vmem>>, vector<16xf32>,
    tpu.vector_store %arg7[%swap3A_826], %gather3A_825 {strides = array<i32>} : memref<512xf32, #tpu.memory_space<vmem>>, vector<16xf32>,
    %add3A_828 = arith.constant 80 : i32
    %add3A_829 = vector.broadcast %add3A_828 : i32 to vector<16xi32>
    %add3A_830 = arith.addi %add3A_829, %iota3A : vector<16xi32>
    %get3A_831 = arith.constant 336 : index
    %get3A_832 = tpu.vector_load %arg6[%get3A_831] {strides = array<i32>} : memref<512xi32, #tpu.memory_space<vmem>>, vector<16xi32>,
    %gather3A_833 = tpu.vector_load_idx %arg14[%add3A_830, %get3A_832] : memref<128x128xf32, #tpu.memory_space<vmem>>[vector<16xi32>, vector<16xi32>], vector<16xf32>,
    %swap3A_834 = arith.constant 336 : index
    %swap3A_835 = tpu.vector_load %arg7[%swap3A_834] {strides = array<i32>} : memref<512xf32, #tpu.memory_space<vmem>>, vector<16xf32>,
    tpu.vector_store %arg7[%swap3A_834], %gather3A_833 {strides = array<i32>} : memref<512xf32, #tpu.memory_space<vmem>>, vector<16xf32>,
    %add3A_836 = arith.constant 96 : i32
    %add3A_837 = vector.broadcast %add3A_836 : i32 to vector<16xi32>
    %add3A_838 = arith.addi %add3A_837, %iota3A : vector<16xi32>
    %get3A_839 = arith.constant 352 : index
    %get3A_840 = tpu.vector_load %arg6[%get3A_839] {strides = array<i32>} : memref<512xi32, #tpu.memory_space<vmem>>, vector<16xi32>,
    %gather3A_841 = tpu.vector_load_idx %arg14[%add3A_838, %get3A_840] : memref<128x128xf32, #tpu.memory_space<vmem>>[vector<16xi32>, vector<16xi32>], vector<16xf32>,
    %swap3A_842 = arith.constant 352 : index
    %swap3A_843 = tpu.vector_load %arg7[%swap3A_842] {strides = array<i32>} : memref<512xf32, #tpu.memory_space<vmem>>, vector<16xf32>,
    tpu.vector_store %arg7[%swap3A_842], %gather3A_841 {strides = array<i32>} : memref<512xf32, #tpu.memory_space<vmem>>, vector<16xf32>,
    %add3A_844 = arith.constant 112 : i32
    %add3A_845 = vector.broadcast %add3A_844 : i32 to vector<16xi32>
    %add3A_846 = arith.addi %add3A_845, %iota3A : vector<16xi32>
    %get3A_847 = arith.constant 368 : index
    %get3A_848 = tpu.vector_load %arg6[%get3A_847] {strides = array<i32>} : memref<512xi32, #tpu.memory_space<vmem>>, vector<16xi32>,
    %gather3A_849 = tpu.vector_load_idx %arg14[%add3A_846, %get3A_848] : memref<128x128xf32, #tpu.memory_space<vmem>>[vector<16xi32>, vector<16xi32>], vector<16xf32>,
    %swap3A_850 = arith.constant 368 : index
    %swap3A_851 = tpu.vector_load %arg7[%swap3A_850] {strides = array<i32>} : memref<512xf32, #tpu.memory_space<vmem>>, vector<16xf32>,
    tpu.vector_store %arg7[%swap3A_850], %gather3A_849 {strides = array<i32>} : memref<512xf32, #tpu.memory_space<vmem>>, vector<16xf32>,
    %add3A_852 = arith.constant 0 : i32
    %add3A_853 = vector.broadcast %add3A_852 : i32 to vector<16xi32>
    %add3A_854 = arith.addi %add3A_853, %iota3A : vector<16xi32>
    %get3A_855 = arith.constant 384 : index
    %get3A_856 = tpu.vector_load %arg6[%get3A_855] {strides = array<i32>} : memref<512xi32, #tpu.memory_space<vmem>>, vector<16xi32>,
    %gather3A_857 = tpu.vector_load_idx %arg15[%add3A_854, %get3A_856] : memref<128x128xf32, #tpu.memory_space<vmem>>[vector<16xi32>, vector<16xi32>], vector<16xf32>,
    %swap3A_858 = arith.constant 384 : index
    %swap3A_859 = tpu.vector_load %arg7[%swap3A_858] {strides = array<i32>} : memref<512xf32, #tpu.memory_space<vmem>>, vector<16xf32>,
    tpu.vector_store %arg7[%swap3A_858], %gather3A_857 {strides = array<i32>} : memref<512xf32, #tpu.memory_space<vmem>>, vector<16xf32>,
    %add3A_860 = arith.constant 16 : i32
    %add3A_861 = vector.broadcast %add3A_860 : i32 to vector<16xi32>
    %add3A_862 = arith.addi %add3A_861, %iota3A : vector<16xi32>
    %get3A_863 = arith.constant 400 : index
    %get3A_864 = tpu.vector_load %arg6[%get3A_863] {strides = array<i32>} : memref<512xi32, #tpu.memory_space<vmem>>, vector<16xi32>,
    %gather3A_865 = tpu.vector_load_idx %arg15[%add3A_862, %get3A_864] : memref<128x128xf32, #tpu.memory_space<vmem>>[vector<16xi32>, vector<16xi32>], vector<16xf32>,
    %swap3A_866 = arith.constant 400 : index
    %swap3A_867 = tpu.vector_load %arg7[%swap3A_866] {strides = array<i32>} : memref<512xf32, #tpu.memory_space<vmem>>, vector<16xf32>,
    tpu.vector_store %arg7[%swap3A_866], %gather3A_865 {strides = array<i32>} : memref<512xf32, #tpu.memory_space<vmem>>, vector<16xf32>,
    %add3A_868 = arith.constant 32 : i32
    %add3A_869 = vector.broadcast %add3A_868 : i32 to vector<16xi32>
    %add3A_870 = arith.addi %add3A_869, %iota3A : vector<16xi32>
    %get3A_871 = arith.constant 416 : index
    %get3A_872 = tpu.vector_load %arg6[%get3A_871] {strides = array<i32>} : memref<512xi32, #tpu.memory_space<vmem>>, vector<16xi32>,
    %gather3A_873 = tpu.vector_load_idx %arg15[%add3A_870, %get3A_872] : memref<128x128xf32, #tpu.memory_space<vmem>>[vector<16xi32>, vector<16xi32>], vector<16xf32>,
    %swap3A_874 = arith.constant 416 : index
    %swap3A_875 = tpu.vector_load %arg7[%swap3A_874] {strides = array<i32>} : memref<512xf32, #tpu.memory_space<vmem>>, vector<16xf32>,
    tpu.vector_store %arg7[%swap3A_874], %gather3A_873 {strides = array<i32>} : memref<512xf32, #tpu.memory_space<vmem>>, vector<16xf32>,
    %add3A_876 = arith.constant 48 : i32
    %add3A_877 = vector.broadcast %add3A_876 : i32 to vector<16xi32>
    %add3A_878 = arith.addi %add3A_877, %iota3A : vector<16xi32>
    %get3A_879 = arith.constant 432 : index
    %get3A_880 = tpu.vector_load %arg6[%get3A_879] {strides = array<i32>} : memref<512xi32, #tpu.memory_space<vmem>>, vector<16xi32>,
    %gather3A_881 = tpu.vector_load_idx %arg15[%add3A_878, %get3A_880] : memref<128x128xf32, #tpu.memory_space<vmem>>[vector<16xi32>, vector<16xi32>], vector<16xf32>,
    %swap3A_882 = arith.constant 432 : index
    %swap3A_883 = tpu.vector_load %arg7[%swap3A_882] {strides = array<i32>} : memref<512xf32, #tpu.memory_space<vmem>>, vector<16xf32>,
    tpu.vector_store %arg7[%swap3A_882], %gather3A_881 {strides = array<i32>} : memref<512xf32, #tpu.memory_space<vmem>>, vector<16xf32>,
    %add3A_884 = arith.constant 64 : i32
    %add3A_885 = vector.broadcast %add3A_884 : i32 to vector<16xi32>
    %add3A_886 = arith.addi %add3A_885, %iota3A : vector<16xi32>
    %get3A_887 = arith.constant 448 : index
    %get3A_888 = tpu.vector_load %arg6[%get3A_887] {strides = array<i32>} : memref<512xi32, #tpu.memory_space<vmem>>, vector<16xi32>,
    %gather3A_889 = tpu.vector_load_idx %arg15[%add3A_886, %get3A_888] : memref<128x128xf32, #tpu.memory_space<vmem>>[vector<16xi32>, vector<16xi32>], vector<16xf32>,
    %swap3A_890 = arith.constant 448 : index
    %swap3A_891 = tpu.vector_load %arg7[%swap3A_890] {strides = array<i32>} : memref<512xf32, #tpu.memory_space<vmem>>, vector<16xf32>,
    tpu.vector_store %arg7[%swap3A_890], %gather3A_889 {strides = array<i32>} : memref<512xf32, #tpu.memory_space<vmem>>, vector<16xf32>,
    %add3A_892 = arith.constant 80 : i32
    %add3A_893 = vector.broadcast %add3A_892 : i32 to vector<16xi32>
    %add3A_894 = arith.addi %add3A_893, %iota3A : vector<16xi32>
    %get3A_895 = arith.constant 464 : index
    %get3A_896 = tpu.vector_load %arg6[%get3A_895] {strides = array<i32>} : memref<512xi32, #tpu.memory_space<vmem>>, vector<16xi32>,
    %gather3A_897 = tpu.vector_load_idx %arg15[%add3A_894, %get3A_896] : memref<128x128xf32, #tpu.memory_space<vmem>>[vector<16xi32>, vector<16xi32>], vector<16xf32>,
    %swap3A_898 = arith.constant 464 : index
    %swap3A_899 = tpu.vector_load %arg7[%swap3A_898] {strides = array<i32>} : memref<512xf32, #tpu.memory_space<vmem>>, vector<16xf32>,
    tpu.vector_store %arg7[%swap3A_898], %gather3A_897 {strides = array<i32>} : memref<512xf32, #tpu.memory_space<vmem>>, vector<16xf32>,
    %add3A_900 = arith.constant 96 : i32
    %add3A_901 = vector.broadcast %add3A_900 : i32 to vector<16xi32>
    %add3A_902 = arith.addi %add3A_901, %iota3A : vector<16xi32>
    %get3A_903 = arith.constant 480 : index
    %get3A_904 = tpu.vector_load %arg6[%get3A_903] {strides = array<i32>} : memref<512xi32, #tpu.memory_space<vmem>>, vector<16xi32>,
    %gather3A_905 = tpu.vector_load_idx %arg15[%add3A_902, %get3A_904] : memref<128x128xf32, #tpu.memory_space<vmem>>[vector<16xi32>, vector<16xi32>], vector<16xf32>,
    %swap3A_906 = arith.constant 480 : index
    %swap3A_907 = tpu.vector_load %arg7[%swap3A_906] {strides = array<i32>} : memref<512xf32, #tpu.memory_space<vmem>>, vector<16xf32>,
    tpu.vector_store %arg7[%swap3A_906], %gather3A_905 {strides = array<i32>} : memref<512xf32, #tpu.memory_space<vmem>>, vector<16xf32>,
    %add3A_908 = arith.constant 112 : i32
    %add3A_909 = vector.broadcast %add3A_908 : i32 to vector<16xi32>
    %add3A_910 = arith.addi %add3A_909, %iota3A : vector<16xi32>
    %get3A_911 = arith.constant 496 : index
    %get3A_912 = tpu.vector_load %arg6[%get3A_911] {strides = array<i32>} : memref<512xi32, #tpu.memory_space<vmem>>, vector<16xi32>,
    %gather3A_913 = tpu.vector_load_idx %arg15[%add3A_910, %get3A_912] : memref<128x128xf32, #tpu.memory_space<vmem>>[vector<16xi32>, vector<16xi32>], vector<16xf32>,
    %swap3A_914 = arith.constant 496 : index
    %swap3A_915 = tpu.vector_load %arg7[%swap3A_914] {strides = array<i32>} : memref<512xf32, #tpu.memory_space<vmem>>, vector<16xf32>,
    tpu.vector_store %arg7[%swap3A_914], %gather3A_913 {strides = array<i32>} : memref<512xf32, #tpu.memory_space<vmem>>, vector<16xf32>,
    "tpu.region"() ({
      %run_scoped3A = tpu.sem_alloc : memref<!tpu.dma_semaphore, #tpu.memory_space<semaphore_mem>>
      %dma_start3A_916 = tpu.memref_slice %arg4[%mul3A_2] : memref<16384xf32, #tpu.memory_space<hbm>> -> memref<512xf32, #tpu.memory_space<hbm>>
      %dma_start3A_917 = tpu.memref_slice %arg4[%mul3A_2] : memref<16384xf32, #tpu.memory_space<hbm>> -> memref<512xf32, #tpu.memory_space<hbm>>
      tpu.enqueue_dma source(%arg7 : memref<512xf32, #tpu.memory_space<vmem>>) target(%dma_start3A_917 : memref<512xf32, #tpu.memory_space<hbm>>) target_semaphore(%run_scoped3A : memref<!tpu.dma_semaphore, #tpu.memory_space<semaphore_mem>>)
      %dma_wait3A_918 = tpu.memref_slice %arg4[%mul3A_2] : memref<16384xf32, #tpu.memory_space<hbm>> -> memref<512xf32, #tpu.memory_space<hbm>>
      %dma_wait3A_919 = tpu.memref_slice %arg4[%mul3A_2] : memref<16384xf32, #tpu.memory_space<hbm>> -> memref<512xf32, #tpu.memory_space<hbm>>
      tpu.wait_dma2 semaphore(%run_scoped3A : memref<!tpu.dma_semaphore, #tpu.memory_space<semaphore_mem>>) src(%arg7 : memref<512xf32, #tpu.memory_space<vmem>>) dst(%dma_wait3A_919 : memref<512xf32, #tpu.memory_space<hbm>>)
      tpu.yield
    }) : () -> ()
    return
  }
}

module attributes {stable_mosaic.version = 14 : i64} {
  func.func @_dense_block(%arg0: i32, %arg1: memref<1000x2048xf32, #tpu.memory_space<vmem>>, %arg2: memref<1x1x1xf32, #tpu.memory_space<smem>>, %arg3: memref<1x2048xf32, #tpu.memory_space<vmem>>) attributes {dimension_semantics = [#tpu.dimension_semantics<parallel>], iteration_bounds = array<i64: 8>, scalar_prefetch = 0 : i64, scratch_operands = 0 : i64, tpu.core_type = #tpu.core_type<tc>, window_params = [{transform_indices = @transform_0, window_bounds = array<i64: 1000, 2048>}, {transform_indices = @transform_1, window_bounds = array<i64: 1, 1, 1>}, {transform_indices = @transform_2, window_bounds = array<i64: 1, 2048>}]} {
    %get3A = arith.constant 0 : index
    %get3A_0 = arith.constant 0 : index
    %get3A_1 = vector.load %arg1[%get3A, %get3A_0] : memref<1000x2048xf32, #tpu.memory_space<vmem>>, vector<1000x2048xf32>
    %exp3A = math.exp %get3A_1 : vector<1000x2048xf32>
    %reduce_sum3A = arith.constant dense<0.000000e+00> : vector<2048xf32>
    %reduce_sum3A_2 = vector.multi_reduction <add>, %exp3A, %reduce_sum3A [0] : vector<1000x2048xf32> to vector<2048xf32>
    %broadcast_in_dim3A = vector.shape_cast %reduce_sum3A_2 : vector<2048xf32> to vector<1x2048xf32>
    %mul3A = arith.constant 9.99999974E-6 : f32
    %mul3A_3 = vector.broadcast %mul3A : f32 to vector<1x2048xf32>
    %mul3A_4 = arith.mulf %mul3A_3, %broadcast_in_dim3A : vector<1x2048xf32>
    %add3A = vector.broadcast %mul3A_4 : vector<1x2048xf32> to vector<1000x2048xf32>
    %add3A_5 = arith.addf %exp3A, %add3A : vector<1000x2048xf32>
    %log3A = math.log %add3A_5 : vector<1000x2048xf32>
    %reduce_sum3A_6 = arith.constant dense<0.000000e+00> : vector<2048xf32>
    %reduce_sum3A_7 = vector.multi_reduction <add>, %log3A, %reduce_sum3A_6 [0] : vector<1000x2048xf32> to vector<2048xf32>
    %broadcast_in_dim3A_8 = vector.shape_cast %reduce_sum3A_7 : vector<2048xf32> to vector<1x2048xf32>
    %mul3A_9 = arith.constant 2048 : i32
    %mul3A_10 = arith.muli %arg0, %mul3A_9 : i32
    %iota3A = tpu.iota {dimensions = array<i32: 1>} : vector<1x2048xi32>
    %add3A_11 = vector.broadcast %mul3A_10 : i32 to vector<1x2048xi32>
    %add3A_12 = arith.addi %add3A_11, %iota3A : vector<1x2048xi32>
    %lt3A = arith.constant 14336 : i32
    %lt3A_13 = vector.broadcast %lt3A : i32 to vector<1x2048xi32>
    %lt3A_14 = arith.cmpi slt, %add3A_12, %lt3A_13 : vector<1x2048xi32>
    %jit3A = arith.constant 6.98242885E-9 : f32
    %jit3A_15 = arith.constant 4.88281273E-7 : f32
    %broadcast_in_dim3A_16 = vector.broadcast %jit3A : f32 to vector<1x2048xf32>
    %broadcast_in_dim3A_17 = vector.broadcast %jit3A_15 : f32 to vector<1x2048xf32>
    %select_n3A = arith.select %lt3A_14, %broadcast_in_dim3A_16, %broadcast_in_dim3A_17 : vector<1x2048xi1>, vector<1x2048xf32>
    %log3A_18 = math.log %broadcast_in_dim3A : vector<1x2048xf32>
    %mul3A_19 = arith.constant 1.000000e+03 : f32
    %mul3A_20 = vector.broadcast %mul3A_19 : f32 to vector<1x2048xf32>
    %mul3A_21 = arith.mulf %mul3A_20, %log3A_18 : vector<1x2048xf32>
    %sub3A = arith.subf %mul3A_21, %broadcast_in_dim3A_8 : vector<1x2048xf32>
    %mul3A_22 = arith.mulf %select_n3A, %sub3A : vector<1x2048xf32>
    %reduce_sum3A_23 = vector.shape_cast %mul3A_22 : vector<1x2048xf32> to vector<1x1x2048xf32>
    %reduce_sum3A_24 = arith.constant dense<0.000000e+00> : vector<1xf32>
    %reduce_sum3A_25 = vector.multi_reduction <add>, %reduce_sum3A_23, %reduce_sum3A_24 [1, 2] : vector<1x1x2048xf32> to vector<1xf32>
    %reduce_sum3A_26 = vector.shape_cast %reduce_sum3A_25 : vector<1xf32> to vector<1x1x1xf32>
    %reduce_sum3A_27 = vector.extract %reduce_sum3A_26[0, 0, 0] : f32 from vector<1x1x1xf32>
    %swap3A = arith.constant 0 : index
    %swap3A_28 = arith.constant 0 : index
    %swap3A_29 = arith.constant 0 : index
    %swap3A_30 = memref.load %arg2[%swap3A, %swap3A_28, %swap3A_29] : memref<1x1x1xf32, #tpu.memory_space<smem>>
    memref.store %reduce_sum3A_27, %arg2[%swap3A, %swap3A_28, %swap3A_29] : memref<1x1x1xf32, #tpu.memory_space<smem>>
    %swap3A_31 = arith.constant 0 : index
    %swap3A_32 = arith.constant 0 : index
    %swap3A_33 = vector.load %arg3[%swap3A_31, %swap3A_32] : memref<1x2048xf32, #tpu.memory_space<vmem>>, vector<1x2048xf32>
    tpu.vector_store %arg3[%swap3A_31, %swap3A_32], %broadcast_in_dim3A {strides = array<i32>} : memref<1x2048xf32, #tpu.memory_space<vmem>>, vector<1x2048xf32>,
    return
  }
  func.func @transform_0(%arg0: i32) -> (i32, i32) {
    %c0_i32 = arith.constant 0 : i32
    %c0_i32_0 = arith.constant 0 : i32
    return %c0_i32, %arg0 : i32, i32
  }
  func.func @transform_1(%arg0: i32) -> (i32, i32, i32) {
    %c0_i32 = arith.constant 0 : i32
    %c0_i32_0 = arith.constant 0 : i32
    %c0_i32_1 = arith.constant 0 : i32
    return %arg0, %c0_i32, %c0_i32_0 : i32, i32, i32
  }
  func.func @transform_2(%arg0: i32) -> (i32, i32) {
    %c0_i32 = arith.constant 0 : i32
    %c0_i32_0 = arith.constant 0 : i32
    return %c0_i32, %arg0 : i32, i32
  }
}

module attributes {stable_mosaic.version = 14 : i64} {
  func.func @_combine_block(%arg0: memref<1x16384xf32, #tpu.memory_space<vmem>>, %arg1: memref<1x16384xf32, #tpu.memory_space<vmem>>, %arg2: memref<1x1xf32, #tpu.memory_space<smem>>) attributes {dimension_semantics = [], scalar_prefetch = 0 : i64, scratch_operands = 0 : i64, tpu.core_type = #tpu.core_type<tc>} {
    %get3A = arith.constant 0 : index
    %get3A_0 = arith.constant 0 : index
    %get3A_1 = vector.load %arg0[%get3A, %get3A_0] : memref<1x16384xf32, #tpu.memory_space<vmem>>, vector<1x16384xf32>
    %get3A_2 = arith.constant 0 : index
    %get3A_3 = arith.constant 0 : index
    %get3A_4 = vector.load %arg1[%get3A_2, %get3A_3] : memref<1x16384xf32, #tpu.memory_space<vmem>>, vector<1x16384xf32>
    %exp3A = math.exp %get3A_1 : vector<1x16384xf32>
    %mul3A = arith.constant 9.99999974E-6 : f32
    %mul3A_5 = vector.broadcast %mul3A : f32 to vector<1x16384xf32>
    %mul3A_6 = arith.mulf %mul3A_5, %get3A_4 : vector<1x16384xf32>
    %add3A = arith.addf %exp3A, %mul3A_6 : vector<1x16384xf32>
    %log3A = math.log %add3A : vector<1x16384xf32>
    %iota3A = tpu.iota {dimensions = array<i32: 1>} : vector<1x16384xi32>
    %lt3A = arith.constant 14336 : i32
    %lt3A_7 = vector.broadcast %lt3A : i32 to vector<1x16384xi32>
    %lt3A_8 = arith.cmpi slt, %iota3A, %lt3A_7 : vector<1x16384xi32>
    %log3A_9 = math.log %get3A_4 : vector<1x16384xf32>
    %sub3A = arith.subf %log3A_9, %log3A : vector<1x16384xf32>
    %mul3A_10 = arith.constant 6.27720365E-5 : f32
    %mul3A_11 = vector.broadcast %mul3A_10 : f32 to vector<1x16384xf32>
    %mul3A_12 = arith.mulf %mul3A_11, %sub3A : vector<1x16384xf32>
    %jit3A = arith.constant 0.000000e+00 : f32
    %broadcast_in_dim3A = vector.broadcast %jit3A : f32 to vector<1x16384xf32>
    %select_n3A = arith.select %lt3A_8, %mul3A_12, %broadcast_in_dim3A : vector<1x16384xi1>, vector<1x16384xf32>
    %reduce_sum3A = vector.shape_cast %select_n3A : vector<1x16384xf32> to vector<1x1x16384xf32>
    %reduce_sum3A_13 = arith.constant dense<0.000000e+00> : vector<1xf32>
    %reduce_sum3A_14 = vector.multi_reduction <add>, %reduce_sum3A, %reduce_sum3A_13 [1, 2] : vector<1x1x16384xf32> to vector<1xf32>
    %reduce_sum3A_15 = vector.shape_cast %reduce_sum3A_14 : vector<1xf32> to vector<1x1x1xf32>
    %reduce_sum3A_16 = vector.extract %reduce_sum3A_15[0, 0, 0] : f32 from vector<1x1x1xf32>
    %swap3A = arith.constant 0 : index
    %swap3A_17 = arith.constant 0 : index
    %swap3A_18 = memref.load %arg2[%swap3A, %swap3A_17] : memref<1x1xf32, #tpu.memory_space<smem>>
    memref.store %reduce_sum3A_16, %arg2[%swap3A, %swap3A_17] : memref<1x1xf32, #tpu.memory_space<smem>>
    return
  }
}

</mosaic_0001>

<sc_bundles>
// kernel: kernel.5.cloned.1.call-start
scs
__scs_entry_jumppad:
0x0: {  	(pc) =	sbr.rel $0x88, $3  }
0x1: {  	(tag) =	ssettag $0x0;
	lr =	simm.s32 $0x1  }
0x2: {  	[smem:$0x3F9E] =	sst lr;
	_ =	strace $0xD0000000  }
0x3: {  	_ = 	snop  }
0x4: {  	_ = 	snop  }
0x5: {  	_ = 	snop  }
0x6: {  	_ = 	snop  }
0x7: {  	_ = 	snop  }
__scs_overlays_trampoline_lowered:
0x8: {  	[smem:$0x3FAD] =	sst s0  }
0x9: {  	[smem:$0x3FAE] =	sst s1  }
0xa: {  	[smem:$0x3FAF] =	sst s2  }
0xb: {  	[smem:$0x3FB0] =	sst s3  }
0xc: {  	[smem:$0x3FB1] =	sst s4  }
0xd: {  	[smem:$0x3FB2] =	sst s5  }
0xe: {  	[smem:$0x3FB3] =	sst s6  }
0xf: {  	[smem:$0x3FB4] =	sst s7  }
0x10: {  	[smem:$0x3FB5] =	sst s8  }
0x11: {  	[smem:$0x3FB6] =	sst s9;
	s0 =	simm.s32 @!p0 $0x0  }
0x12: {  	s1 =	sld [smem:$0x3F9C];
	s0 =	simm.s32 @p0 $0x1  }
0x13: {  	[smem:$0x3FB7] =	sst s0;
	s0 =	simm.s32 @!p1 $0x0  }
0x14: {  	s2 =	sld [smem:$0x3F9B];
	s0 =	simm.s32 @p1 $0x1  }
0x15: {  	[smem:$0x3FB8] =	sst s0;
	s0 =	simm.s32 @!p2 $0x0  }
0x16: {  	s3 =	sld [smem:$0x3FDB];
	s0 =	simm.s32 @p2 $0x1  }
0x17: {  	s4 =	simm.s32 $0x1BF5;
	[smem:$0x3FBA] =	sst s0  }
0x18: {  	s0 =	sld [smem:$0x3F9D];
	_ =	swait.ge [sflag:s4], $0x0  }
0x19: {  	s7 =	sld [smem:$0x3F9E]  }
0x1a: {  	s8 =	sadd.s32 $0xFFFFE003, lr  }
0x1b: {  	s9 =	sadd.s32 $0xFFFFFEF7, lr;
	s5 =	simm.s32 $0xFFFFFFFF;
	p2 =	slt.u32 s8, $0xFFFFF086  }
0x1c: {  	p1 =	slt.u32 s9, $0xF7A;
	s5 =	simm.s32 @!p2 $0x0  }
0x1d: {  	s5 =	simm.s32 @p1 $0x1;
	p0 =	seq.s32 s7, s2  }
0x1e: {  	s7 =	smul.u32 @!p0 $0xF7A, s2;
	p2 =	seq.s32 @!p0 s5, $0x0  }
0x1f: {  	s9 =	smul.u32 $0xF7A, s1;
	s8 =	simm.s32 @!p0 $0x1BF5;
	p2 =	por !p2, p0  }
0x20: {  	[sflag:s8] =	ssyncset.s32 @!p0 $0xFFFFF086;
	s6 =	sadd.s32 @!p0 s3, s7;
	s7 =	simm.s32 @!p0 $0x108  }
0x21: {  	s3 =	sadd.s32 s3, s9;
	s6 =	sadd.s32 @!p0 $0x88, s6;
	s7 =	simm.s32 @p2 $0x1082  }
0x22: {  	[simem:s7], [sflag:s8] =	dma.local @!p0 [hbm:s6], $0xF7A  }
0x23: {  	s9 =	sor.u32 $0xD0000000, s2;
	s6 =	simm.s32 $0x108;
	_ =	swait.ge @!p0 [sflag:s8], $0x0  }
0x24: {  	s3 =	sadd.s32 $0x88, s3;
	s6 =	simm.s32 @!p1 $0x1082;
	[sflag:s4] =	ssyncset.s32 $0xFFFFF086  }
0x25: {  	[simem:s6], [sflag:s4] =	dma.local [hbm:s3], $0xF7A  }
0x26: {  	[smem:$0x3F9E] =	sst s1;
	(tag) =	ssettag s2;
	_ =	strace s9  }
0x27: {  	s1 =	sld [smem:$0x3FAE]  }
0x28: {  	s2 =	sld [smem:$0x3FAF]  }
0x29: {  	s4 =	sld [smem:$0x3FB1]  }
0x2a: {  	p0 =	seq.s32 s5, $0x0;
	s5 =	sld [smem:$0x3FB2]  }
0x2b: {  	s6 =	sld [smem:$0x3FB3]  }
0x2c: {  	s7 =	sld [smem:$0x3FB4]  }
0x2d: {  	s3 =	simm.s32 $0x108;
	s8 =	sld [smem:$0x3FB5]  }
0x2e: {  	s3 =	simm.s32 @!p0 $0x1082;
	s9 =	sld [smem:$0x3FB6]  }
0x2f: {  	lr =	sadd.s32 s0, s3;
	s0 =	sld [smem:$0x3FAD]  }
0x30: {  	s3 =	sld [smem:$0x3FB0]  }
0x31: {  	[smem:$0x3FB9] =	sst s10  }
0x32: {  	s10 =	sld [smem:$0x3FB7];
	_ =	sdelay $0x3  }
0x33: {  	p0 =	seq.s32 s10, $0x1;
	s10 =	sld [smem:$0x3FB9];
	_ =	sdelay $0x3  }
0x34: {  	[smem:$0x3FB9] =	sst s10  }
0x35: {  	s10 =	sld [smem:$0x3FB8];
	_ =	sdelay $0x3  }
0x36: {  	p1 =	seq.s32 s10, $0x1;
	s10 =	sld [smem:$0x3FB9];
	_ =	sdelay $0x3  }
0x37: {  	[smem:$0x3FB9] =	sst s10  }
0x38: {  	s10 =	sld [smem:$0x3FBA]  }
0x39: {  	_ = 	snop;
	(pc) =	sbr.ind lr, $3  }
0x3a: {  	_ = 	snop  }
0x3b: {  	_ = 	snop  }
0x3c: {  	p2 =	seq.s32 s10, $0x1;
	s10 =	sld [smem:$0x3FB9]  }
0x3d: {  	_ =	shalt  }
0x3e: {  	_ =	shalt  }
0x3f: {  	_ =	shalt  }
0x40: {  	_ =	shalt  }
0x41: {  	_ =	shalt  }
0x42: {  	_ =	shalt  }
0x43: {  	_ =	shalt  }
0x44: {  	_ =	shalt  }
0x45: {  	_ =	shalt  }
0x46: {  	_ =	shalt  }
0x47: {  	_ =	shalt  }
0x48: {  	_ =	shalt  }
0x49: {  	_ =	shalt  }
0x4a: {  	_ =	shalt  }
0x4b: {  	_ =	shalt  }
0x4c: {  	_ =	shalt  }
0x4d: {  	_ =	shalt  }
0x4e: {  	_ =	shalt  }
0x4f: {  	_ =	shalt  }
0x50: {  	_ =	shalt  }
0x51: {  	_ =	shalt  }
0x52: {  	_ =	shalt  }
0x53: {  	_ =	shalt  }
0x54: {  	_ =	shalt  }
0x55: {  	_ =	shalt  }
0x56: {  	_ =	shalt  }
0x57: {  	_ =	shalt  }
0x58: {  	_ =	shalt  }
0x59: {  	_ =	shalt  }
0x5a: {  	_ =	shalt  }
0x5b: {  	_ =	shalt  }
0x5c: {  	_ =	shalt  }
0x5d: {  	_ =	shalt  }
0x5e: {  	_ =	shalt  }
0x5f: {  	_ =	shalt  }
0x60: {  	_ =	shalt  }
0x61: {  	_ =	shalt  }
0x62: {  	_ =	shalt  }
0x63: {  	_ =	shalt  }
0x64: {  	_ =	shalt  }
0x65: {  	_ =	shalt  }
0x66: {  	_ =	shalt  }
0x67: {  	_ =	shalt  }
0x68: {  	_ =	shalt  }
0x69: {  	_ =	shalt  }
0x6a: {  	_ =	shalt  }
0x6b: {  	_ =	shalt  }
0x6c: {  	_ =	shalt  }
0x6d: {  	_ =	shalt  }
0x6e: {  	_ =	shalt  }
0x6f: {  	_ =	shalt  }
0x70: {  	_ =	shalt  }
0x71: {  	_ =	shalt  }
0x72: {  	_ =	shalt  }
0x73: {  	_ =	shalt  }
0x74: {  	_ =	shalt  }
0x75: {  	_ =	shalt  }
0x76: {  	_ =	shalt  }
0x77: {  	_ =	shalt  }
0x78: {  	_ =	shalt  }
0x79: {  	_ =	shalt  }
0x7a: {  	_ =	shalt  }
0x7b: {  	_ =	shalt  }
0x7c: {  	_ =	shalt  }
0x7d: {  	_ =	shalt  }
0x7e: {  	_ =	shalt  }
0x7f: {  	_ =	shalt  }
0x80: {  	_ =	shalt  }
0x81: {  	_ =	shalt  }
0x82: {  	_ =	shalt  }
0x83: {  	_ =	shalt  }
0x84: {  	_ =	shalt  }
0x85: {  	_ =	shalt  }
0x86: {  	_ =	shalt  }
0x87: {  	_ =	shalt  }
.Lfunc_end0:
.L_simem_size_0:
called_computation_lowered:
.L_overlay_start_0:
0x88: {  	s2 =	sld [smem:$0x3FD9]  }
0x89: {  	s3 =	sld [smem:$0x3FFE];
	_ =	sdelay $0x1  }
0x8a: {  	s1 =	srdreg.scid  }
0x8b: {  	s0 =	sand.u32 $0x1, s1  }
0x8c: {  	s17 =	sshll.u32 s0, $0xA;
	s2 =	sadd.s32 s3, s2  }
0x8d: {  	s2 =	sadd.s32 s2, s17  }
0x8e: {  	[smem:$0x3FC5] =	sst s2  }
0x8f: {  	_ = 	snop  }
0x90: {  	s2 =	sld [smem:$0x3FC8];
	(tm) =	ssettm $0x1  }
0x91: {  	s18 =	sld [smem:$0x3FFB];
	_ =	sdelay $0x3  }
0x92: {  	_ =	strace s18  }
0x93: {  	s3 =	sld [smem:$0x3FFC];
	_ =	sdelay $0x3  }
0x94: {  	_ =	strace s3  }
0x95: {  	s3 =	sld [smem:$0x3FFD];
	_ =	sdelay $0x3  }
0x96: {  	_ =	strace s3  }
0x97: {  	_ =	strace $0x8FFFFFFF  }
0x98: {  	s19 =	sld [smem:$0x3FDB];
	_ =	sdelay $0x1  }
0x99: {  	s4 =	simm.s32 $_scs_section_size  }
0x9a: {  	s5 =	simm.s32 $_size__tile_overlayer_lowered;
	s6 =	simm.s32 $_tile_overlayer_lowered  }
0x9b: {  	s22 =	simm.s32 $0x1BFF;
	s21 =	sshll.u32 s6, $0x1;
	s3 =	sadd.s32 s4, s19  }
0x9c: {  	s7 =	simm.s32 $0x0;
	s20 =	sshll.u32 s5, $0x1;
	s5 =	sadd.s32 s21, s3  }
0x9d: {  	[timem:s7], [sflag:s22] =	dma.local [hbm:s5], s20  }
0x9e: {  	_ =	swait.ge [sflag:s22], s20  }
0x9f: {  	s4 =	ssub.s32 $0x0, s20;
	[sflag:s22] =	ssyncset.done $0x0  }
0xa0: {  	[sflag:s22] =	ssyncadd.s32 s4;
	_ =	sdelay $0x1  }
0xa1: {  	s23 =	simm.s32 $0x1B8B  }
0xa2: {  	_ =	swait.ge [sflag:s23], $0x1  }
0xa3: {  	[sflag:s23] =	ssyncset.done $0x0  }
0xa4: {  	s25 =	simm.s32 $0x1B8E;
	s24 =	sld [smem:$0x3FFE];
	[sflag:s23] =	ssyncadd.s32 $0xFFFFFFFF  }
0xa5: {  	s26 =	simm.s32 $execute0_lowered;
	[smem:$0x3FD2] =	sst s25  }
0xa6: {  	s5 =	sshll.u32 s26, $0x1;
	_ =	strace $0x80000046;
	[dreg:$0x1] =	wrdreg $0xFFFFFFFF  }
0xa7: {  	s28 =	simm.s32 $_size_execute0_lowered;
	s3 =	sadd.s32 s3, s5;
	[dreg:$0x0] =	wrdreg $0x0  }
0xa8: {  	s5 =	sshll.u32 s28, $0x1;
	[dreg:$0x2] =	wrdreg s3  }
0xa9: {  	[dreg:$0x3] =	wrdreg s5  }
0xaa: {  	[dreg:$0x4] =	wrdreg $0xC0  }
0xab: {  	_ =	task [dreg:s7], $0x5FFFF  }
0xac: {  	[dreg:$0x1] =	wrdreg $0xFFFFFFFF  }
0xad: {  	[dreg:$0x0] =	wrdreg $0x60  }
0xae: {  	[dreg:$0x2] =	wrdreg s24  }
0xaf: {  	[dreg:$0x3] =	wrdreg s2  }
0xb0: {  	[dreg:$0x4] =	wrdreg $0x9  }
0xb1: {  	_ =	task.clear_ibuf [dreg:s7], $0x5FFFF;
	_ =	strace $0x90000046  }
0xb2: {  	s29 =	simm.s32 $0x9;
	_ =	strace $0x80000048  }
0xb3: {  	_ =	swait.ge [sflag:s29], $0x1  }
0xb4: {  	[sflag:s29] =	ssyncadd.s32 $0xFFFFFFFF  }
0xb5: {  	_ =	strace $0x90000048  }
0xb6: {  	_ =	sfence  }
0xb7: {  	s30 =	sld [smem:$0x0];
	_ =	sdelay $0x2  }
0xb8: {  	s31 =	sshll.u32 s1, $0xD;
	s1 =	sshrl.u32 s1, $0x2  }
0xb9: {  	s3 =	sand.u32 $0x4000, s31;
	s1 =	sadd.s32 s1, s30  }
0xba: {  	s0 =	sor.u32 s3, s0;
	s1 =	sshll.u32 s1, $0x11  }
0xbb: {  	s0 =	sor.u32 s1, s0  }
0xbc: {  	s0 =	sadd.s32 $0x8F2B, s0  }
0xbd: {  	[sflag:s0] =	ssyncadd.remote.s32 $0x1  }
0xbe: {  	_ =	sfence.sel $0xFFFF  }
0xbf: {  	[dreg:$0x0] =	wrdreg $0xFFFFFFFF;
	(pc) =	sbr.abs _section_cstart, $3  }
0xc0: {  	[dreg:$0x1] =	wrdreg $0xFFFFFFFF  }
0xc1: {  	_ =	task.clear_ibuf [dreg:s7], $0x2FFFF;
	_ =	strace $0x9FFFFFFF  }
0xc2: {  	(tm) =	ssettm $0x7FFFFFFF  }
0xc3: {  	_ =	shalt  }
tec
execute0_lowered:
.L_overlay_start_1:
0x0: {  	(tag) =	ssettag $0x1  }
0x1: {  	s5 =	rddreg [dreg:$0x0]  }
0x2: {  	s4 =	rddreg [dreg:$0x1];
	s3 =	srdreg.scid  }
0x3: {  	s2 =	simm.s32 $0x0;
	s1 =	stileid.u32;
	s3 =	sand.u32 $0x1, s3  }
0x4: {  	[smem:$0x7FF] =	sst s2;
	s6 =	sshll.u32 s1, $0xA;
	s7 =	sshll.u32 s3, $0x9  }
0x5: {  	s0 =	rddreg [dreg:$0x2];
	_ =	strace $0x80000047;
	s6 =	sor.u32 s7, s6  }
0x6: {  	v25 =	vlaneseq.u32;
	s8 =	ssub.s32 $0x2, s3;
	s3 =	sadd.s32 $0x400, s5;
	s7 =	sshrl.u32 s6, $0x3  }
0x7: {  	v26 =	vor.u32 $0x10, v25;
	s10 =	sor.u32 $0x80, s6;
	s11 =	sor.u32 $0x90, s6;
	s9 =	sor.u32 $0xA0, s6  }
0x8: {  	v27 =	vor.u32 $0x20, v25;
	v28 =	vmul.u32 $0x80, v25;
	v29 =	vor.u32 $0x30, v25;
	s12 =	sor.u32 $0xC0, s6;
	s13 =	sor.u32 $0xD0, s6;
	s14 =	sor.u32 $0xE0, s6  }
0x9: {  	v30 =	vor.u32 $0x40, v25;
	v31 =	vor.u32 $0x50, v25;
	v32 =	vor.u32 $0x60, v25;
	s15 =	sor.u32 $0xF0, s6;
	s16 =	sor.u32 $0x100, s6;
	s17 =	sor.u32 $0x110, s6  }
0xa: {  	v33 =	vor.u32 $0x70, v25;
	v34 =	vor.u32 $0x800, v28;
	v35 =	vor.u32 $0x1000, v28;
	s18 =	sor.u32 $0x120, s6;
	s19 =	sor.u32 $0x130, s6;
	s20 =	sor.u32 $0x140, s6  }
0xb: {  	v36 =	vor.u32 $0x1800, v28;
	v37 =	vor.u32 $0x2000, v28;
	v38 =	vor.u32 $0x2800, v28;
	s21 =	sor.u32 $0x150, s6;
	s22 =	sor.u32 $0x160, s6;
	s23 =	sor.u32 $0x170, s6  }
0xc: {  	v39 =	vor.u32 $0x3000, v28;
	v40 =	vor.u32 $0x3800, v28;
	v0 =	vmov s6;
	s24 =	sor.u32 $0x180, s6;
	s25 =	sor.u32 $0x190, s6;
	s26 =	sor.u32 $0x1A0, s6  }
0xd: {  	s28 =	sor.u32 $0x1B0, s6;
	s29 =	sor.u32 $0x1C0, s6;
	s30 =	sor.u32 $0x1D0, s6;
	v1 =	vmov s10;
	v2 =	vmov s11;
	v3 =	vmov s9  }
0xe: {  	s31 =	sor.u32 $0x1E0, s6;
	s10 =	sor.u32 $0xB0, s6;
	v5 =	vmov s12;
	v6 =	vmov s13;
	v7 =	vmov s14;
	s11 =	sshrl.u32 s8, $0x1  }
0xf: {  	v8 =	vmov s15;
	v9 =	vmov s16;
	v10 =	vmov s17;
	s6 =	sor.u32 $0x1F0, s6;
	s5 =	sadd.s32 s7, s5;
	s4 =	sadd.s32 s4, s7  }
0x10: {  	v11 =	vmov s18;
	v12 =	vmov s19;
	v13 =	vmov s20;
	s7 =	simm.s32 $0x2;
	s9 =	simm.s32 $0x600;
	s12 =	simm.s32 $0x4800  }
0x11: {  	v14 =	vmov s21;
	v15 =	vmov s22;
	v16 =	vmov s23;
	s13 =	simm.s32 $0x700;
	s14 =	simm.s32 $0x8800;
	s15 =	simm.s32 $0x780  }
0x12: {  	v17 =	vmov s24;
	v18 =	vmov s25;
	v19 =	vmov s26;
	s16 =	simm.s32 $0xC800;
	s17 =	simm.s32 $0x1;
	s18 =	simm.s32 $0x400  }
0x13: {  	v20 =	vmov s28;
	v21 =	vmov s29;
	v4 =	vmov s10;
	s8 =	ssub.s32 s8, s11;
	s5 =	sadd.s32 $0x1F4400, s5;
	s10 =	simm.s32 $0x800  }
0x14: {  	v22 =	vmov s30;
	v23 =	vmov s31;
	v24 =	vmov s6;
	s11 =	simm.s32 $0x680;
	s6 =	smax.u32 s8, $0x1;
	s8 =	simm.s32 $0x80  }
.LBB2_1:
0x15: {  	[tilespmem:s2], [sflag:$0x2] =	stream.linear.gather [hbm4b:s4+s2], $0x200, $0x38;
	[tilespmem:$0x10800] =	vst v63  }
0x16: {  	_ =	swait.ge [sflag:s7], $0x200  }
0x17: {  	[sflag:s7] =	ssyncset.done $0x0  }
0x18: {  	[sflag:s7] =	ssyncadd.s32 $0xFFFFFE00  }
0x19: {  	[tilespmem:$0x200] =	vst v25  }
0x1a: {  	[tilespmem:$0x210] =	vst v26  }
0x1b: {  	[tilespmem:$0x220] =	vst v27  }
0x1c: {  	[tilespmem:$0x230] =	vst v29  }
0x1d: {  	[tilespmem:$0x240] =	vst v30  }
0x1e: {  	[tilespmem:$0x250] =	vst v31  }
0x1f: {  	[tilespmem:$0x260] =	vst v32  }
0x20: {  	[tilespmem:$0x270] =	vst v33  }
0x21: {  	[tilespmem:$0x280] =	vst v25  }
0x22: {  	[tilespmem:$0x290] =	vst v26  }
0x23: {  	[tilespmem:$0x2A0] =	vst v27  }
0x24: {  	[tilespmem:$0x2B0] =	vst v29  }
0x25: {  	[tilespmem:$0x2C0] =	vst v30  }
0x26: {  	[tilespmem:$0x2D0] =	vst v31  }
0x27: {  	[tilespmem:$0x2E0] =	vst v32  }
0x28: {  	[tilespmem:$0x2F0] =	vst v33  }
0x29: {  	[tilespmem:$0x300] =	vst v25  }
0x2a: {  	[tilespmem:$0x310] =	vst v26  }
0x2b: {  	[tilespmem:$0x320] =	vst v27  }
0x2c: {  	[tilespmem:$0x330] =	vst v29  }
0x2d: {  	[tilespmem:$0x340] =	vst v30  }
0x2e: {  	[tilespmem:$0x350] =	vst v31  }
0x2f: {  	v41 =	vld [tilespmem:$0x0];
	[tilespmem:$0x360] =	vst v32  }
0x30: {  	v42 =	vld [tilespmem:$0x10];
	[tilespmem:$0x370] =	vst v33  }
0x31: {  	v43 =	vld [tilespmem:$0x20];
	[tilespmem:$0x380] =	vst v25  }
0x32: {  	v44 =	vld [tilespmem:$0x30];
	[tilespmem:$0x390] =	vst v26  }
0x33: {  	v45 =	vld [tilespmem:$0x40];
	[tilespmem:$0x3A0] =	vst v27  }
0x34: {  	v46 =	vld [tilespmem:$0x50];
	[tilespmem:$0x3B0] =	vst v29  }
0x35: {  	v47 =	vld [tilespmem:$0x60];
	[tilespmem:$0x3C0] =	vst v30  }
0x36: {  	v48 =	vld [tilespmem:$0x70];
	[tilespmem:$0x3D0] =	vst v31;
	v41 =	vshll.u32 v41, $0xE;
	v42 =	vshll.u32 v42, $0xE  }
0x37: {  	[tilespmem:$0x3E0] =	vst v32;
	v43 =	vshll.u32 v43, $0xE;
	v57 =	vshll.u32 v44, $0xE;
	v41 =	vor.u32 v0, v41  }
0x38: {  	[tilespmem:$0x3F0] =	vst v33;
	v44 =	vld [tilespmem:$0x80];
	v60 =	vshll.u32 v45, $0xE;
	v42 =	vor.u32 v0, v42;
	v41 =	vshrl.u32 v41, $0x7  }
0x39: {  	v45 =	vld [tilespmem:$0x90];
	v63 =	vshll.u32 v46, $0xE;
	v56 =	vor.u32 v0, v43;
	v55 =	vshrl.u32 v42, $0x7;
	[tilespmem:$0x600] =	vst v41  }
0x3a: {  	v46 =	vld [tilespmem:$0xA0];
	v51 =	vshll.u32 v47, $0xE;
	v59 =	vor.u32 v0, v57;
	v58 =	vshrl.u32 v56, $0x7;
	[tilespmem:$0x610] =	vst v55  }
0x3b: {  	v47 =	vld [tilespmem:$0xB0];
	v54 =	vshll.u32 v48, $0xE;
	v62 =	vor.u32 v0, v60;
	v61 =	vshrl.u32 v59, $0x7;
	[tilespmem:$0x620] =	vst v58  }
0x3c: {  	v50 =	vor.u32 v0, v63;
	v57 =	vor.u32 v0, v54;
	v49 =	vshrl.u32 v62, $0x7;
	v62 =	vld [tilespmem:$0xD0];
	[tilespmem:$0x630] =	vst v61  }
0x3d: {  	v53 =	vor.u32 v0, v51;
	v52 =	vshrl.u32 v50, $0x7;
	v59 =	vshrl.u32 v57, $0x7;
	v57 =	vld [tilespmem:$0xE0];
	[tilespmem:$0x640] =	vst v49  }
0x3e: {  	v56 =	vshrl.u32 v53, $0x7;
	v55 =	vld [tilespmem:$0xC0];
	[tilespmem:$0x650] =	vst v52;
	v58 =	vshll.u32 v44, $0xE  }
0x3f: {  	[tilespmem:$0x660] =	vst v56;
	v61 =	vshll.u32 v45, $0xE;
	v46 =	vshll.u32 v46, $0xE;
	v60 =	vor.u32 v1, v58  }
0x40: {  	[tilespmem:$0x670] =	vst v59;
	v51 =	vshll.u32 v47, $0xE;
	v45 =	vor.u32 v2, v61;
	v61 =	vld [tilespmem:$0xF0];
	v63 =	vshrl.u32 v60, $0x7  }
0x41: {  	v50 =	vor.u32 v3, v46;
	v49 =	vshrl.u32 v45, $0x7;
	v59 =	vshll.u32 v62, $0xE;
	v62 =	vld [tilespmem:$0x100];
	[tilespmem:$0x680] =	vst v63  }
0x42: {  	v53 =	vor.u32 v4, v51;
	v52 =	vshrl.u32 v50, $0x7;
	v43 =	vshll.u32 v57, $0xE;
	[tilespmem:$0x690] =	vst v49;
	v63 =	vld [tilespmem:$0x110]  }
0x43: {  	v45 =	vld [tilespmem:$0x120];
	v54 =	vshll.u32 v55, $0xE;
	[tilespmem:$0x6A0] =	vst v52;
	v55 =	vshrl.u32 v53, $0x7;
	v60 =	vor.u32 v6, v59  }
0x44: {  	v46 =	vld [tilespmem:$0x130];
	v43 =	vor.u32 v7, v43;
	[tilespmem:$0x6B0] =	vst v55;
	v41 =	vshrl.u32 v60, $0x7  }
0x45: {  	v47 =	vld [tilespmem:$0x140];
	v56 =	vor.u32 v5, v54;
	v43 =	vshrl.u32 v43, $0x7;
	[tilespmem:$0x6D0] =	vst v41;
	v42 =	vshll.u32 v61, $0xE  }
0x46: {  	v48 =	vld [tilespmem:$0x150];
	v58 =	vshrl.u32 v56, $0x7;
	[tilespmem:$0x6E0] =	vst v43;
	v42 =	vor.u32 v8, v42;
	v41 =	vshll.u32 v62, $0xE  }
0x47: {  	v49 =	vld [tilespmem:$0x160];
	[tilespmem:$0x6C0] =	vst v58;
	v42 =	vshrl.u32 v42, $0x7;
	v41 =	vor.u32 v9, v41;
	v43 =	vshll.u32 v63, $0xE  }
0x48: {  	v50 =	vld [tilespmem:$0x170];
	[tilespmem:$0x6F0] =	vst v42;
	v41 =	vshrl.u32 v41, $0x7;
	v43 =	vor.u32 v10, v43;
	v42 =	vshll.u32 v45, $0xE  }
0x49: {  	v51 =	vld [tilespmem:$0x180];
	[tilespmem:$0x700] =	vst v41;
	v43 =	vshrl.u32 v43, $0x7;
	v42 =	vor.u32 v11, v42;
	v41 =	vshll.u32 v46, $0xE  }
0x4a: {  	v52 =	vld [tilespmem:$0x190];
	[tilespmem:$0x710] =	vst v43;
	v42 =	vshrl.u32 v42, $0x7;
	v41 =	vor.u32 v12, v41;
	v43 =	vshll.u32 v47, $0xE  }
0x4b: {  	v53 =	vld [tilespmem:$0x1A0];
	[tilespmem:$0x720] =	vst v42;
	v41 =	vshrl.u32 v41, $0x7;
	v43 =	vor.u32 v13, v43;
	v42 =	vshll.u32 v48, $0xE  }
0x4c: {  	v54 =	vld [tilespmem:$0x1B0];
	[tilespmem:$0x730] =	vst v41;
	v43 =	vshrl.u32 v43, $0x7;
	v42 =	vor.u32 v14, v42;
	v41 =	vshll.u32 v49, $0xE  }
0x4d: {  	v55 =	vld [tilespmem:$0x1C0];
	[tilespmem:$0x740] =	vst v43;
	v42 =	vshrl.u32 v42, $0x7;
	v41 =	vor.u32 v15, v41;
	v43 =	vshll.u32 v50, $0xE  }
0x4e: {  	v56 =	vld [tilespmem:$0x1D0];
	[tilespmem:$0x750] =	vst v42;
	v41 =	vshrl.u32 v41, $0x7;
	v43 =	vor.u32 v16, v43;
	v42 =	vshll.u32 v51, $0xE  }
0x4f: {  	v57 =	vld [tilespmem:$0x1E0];
	[tilespmem:$0x760] =	vst v41;
	v43 =	vshrl.u32 v43, $0x7;
	v42 =	vor.u32 v17, v42;
	v41 =	vshll.u32 v52, $0xE  }
0x50: {  	v58 =	vld [tilespmem:$0x1F0];
	[tilespmem:$0x770] =	vst v43;
	v42 =	vshrl.u32 v42, $0x7;
	v41 =	vor.u32 v18, v41;
	v43 =	vshll.u32 v53, $0xE  }
0x51: {  	[tilespmem:$0x780] =	vst v42;
	v41 =	vshrl.u32 v41, $0x7;
	v43 =	vor.u32 v19, v43;
	v42 =	vshll.u32 v54, $0xE  }
0x52: {  	[tilespmem:$0x790] =	vst v41;
	v43 =	vshrl.u32 v43, $0x7;
	v42 =	vor.u32 v20, v42;
	v41 =	vshll.u32 v55, $0xE  }
0x53: {  	[tilespmem:$0x7A0] =	vst v43;
	v42 =	vshrl.u32 v42, $0x7;
	v41 =	vor.u32 v21, v41;
	v43 =	vshll.u32 v56, $0xE  }
0x54: {  	[tilespmem:$0x7B0] =	vst v42;
	v41 =	vshrl.u32 v41, $0x7;
	v43 =	vor.u32 v22, v43;
	v42 =	vshll.u32 v57, $0xE  }
0x55: {  	[tilespmem:$0x7C0] =	vst v41;
	v43 =	vshrl.u32 v43, $0x7;
	v42 =	vor.u32 v23, v42;
	v41 =	vshll.u32 v58, $0xE  }
0x56: {  	[tilespmem:$0x7D0] =	vst v43;
	v42 =	vshrl.u32 v42, $0x7;
	v41 =	vor.u32 v24, v41  }
0x57: {  	[tilespmem:$0x7E0] =	vst v42;
	v41 =	vshrl.u32 v41, $0x7  }
0x58: {  	[tilespmem:$0x7F0] =	vst v41  }
0x59: {  	[tilespmem:s10], [sflag:$0x1] =	stream.indirect.gather [hbm4b:s3+s8], $0x80, s9, s8, $0xb8;
	[tilespmem:$0x10800] =	vst v63  }
0x5a: {  	_ = 	snop  }
0x5b: {  	[tilespmem:s12], [sflag:$0x1] =	stream.indirect.gather [hbm4b:s3+s8], $0x80, s11, s8, $0xb8;
	[tilespmem:$0x10800] =	vst v63  }
0x5c: {  	_ = 	snop  }
0x5d: {  	[tilespmem:s14], [sflag:$0x1] =	stream.indirect.gather [hbm4b:s3+s8], $0x80, s13, s8, $0xb8;
	[tilespmem:$0x10800] =	vst v63  }
0x5e: {  	_ = 	snop  }
0x5f: {  	[tilespmem:s16], [sflag:$0x1] =	stream.indirect.gather [hbm4b:s3+s8], $0x80, s15, s8, $0xb8;
	[tilespmem:$0x10800] =	vst v63  }
0x60: {  	_ =	swait.ge [sflag:s17], $0x4000  }
0x61: {  	[sflag:s17] =	ssyncset.done $0x0  }
0x62: {  	[sflag:s17] =	ssyncadd.s32 $0xFFFFC000  }
0x63: {  	_ =	swait.ge [sflag:s17], $0x4000  }
0x64: {  	[sflag:s17] =	ssyncset.done $0x0  }
0x65: {  	[sflag:s17] =	ssyncadd.s32 $0xFFFFC000  }
0x66: {  	_ =	swait.ge [sflag:s17], $0x4000  }
0x67: {  	[sflag:s17] =	ssyncset.done $0x0  }
0x68: {  	[sflag:s17] =	ssyncadd.s32 $0xFFFFC000  }
0x69: {  	_ =	swait.ge [sflag:s17], $0x4000  }
0x6a: {  	[sflag:s17] =	ssyncset.done $0x0  }
0x6b: {  	[sflag:s17] =	ssyncadd.s32 $0xFFFFC000  }
0x6c: {  	v59 =	vld [tilespmem:$0x200];
	_ =	sdelay $0x4  }
0x6d: {  	v41 =	vadd.s32 v28, v59  }
0x6e: {  	v60 =	vld [tilespmem:$0x210];
	_ =	sdelay $0x3  }
0x6f: {  	v41 =	vld.idx.msk [tilespmem:v41+s10+$0x0], $0xffff  }
0x70: {  	v42 =	vadd.s32 v34, v60  }
0x71: {  	v61 =	vld [tilespmem:$0x220];
	_ =	sdelay $0x2  }
0x72: {  	[tilespmem:$0x400] =	vst v41  }
0x73: {  	v41 =	vld.idx.msk [tilespmem:v42+s10+$0x0], $0xffff  }
0x74: {  	v62 =	vadd.s32 v35, v61  }
0x75: {  	v63 =	vld [tilespmem:$0x230];
	_ =	sdelay $0x2  }
0x76: {  	[tilespmem:$0x410] =	vst v41  }
0x77: {  	v41 =	vld.idx.msk [tilespmem:v62+s10+$0x0], $0xffff  }
0x78: {  	v45 =	vadd.s32 v36, v63  }
0x79: {  	v46 =	vld [tilespmem:$0x240];
	_ =	sdelay $0x2  }
0x7a: {  	[tilespmem:$0x420] =	vst v41  }
0x7b: {  	v41 =	vld.idx.msk [tilespmem:v45+s10+$0x0], $0xffff  }
0x7c: {  	v47 =	vadd.s32 v37, v46  }
0x7d: {  	v48 =	vld [tilespmem:$0x250];
	_ =	sdelay $0x2  }
0x7e: {  	[tilespmem:$0x430] =	vst v41  }
0x7f: {  	v41 =	vld.idx.msk [tilespmem:v47+s10+$0x0], $0xffff  }
0x80: {  	v49 =	vadd.s32 v38, v48  }
0x81: {  	v50 =	vld [tilespmem:$0x260];
	_ =	sdelay $0x2  }
0x82: {  	[tilespmem:$0x440] =	vst v41  }
0x83: {  	v41 =	vld.idx.msk [tilespmem:v49+s10+$0x0], $0xffff  }
0x84: {  	v51 =	vadd.s32 v39, v50  }
0x85: {  	v52 =	vld [tilespmem:$0x270];
	_ =	sdelay $0x2  }
0x86: {  	[tilespmem:$0x450] =	vst v41  }
0x87: {  	v41 =	vld.idx.msk [tilespmem:v51+s10+$0x0], $0xffff  }
0x88: {  	v53 =	vadd.s32 v40, v52  }
0x89: {  	v54 =	vld [tilespmem:$0x280];
	_ =	sdelay $0x2  }
0x8a: {  	[tilespmem:$0x460] =	vst v41  }
0x8b: {  	v41 =	vld.idx.msk [tilespmem:v53+s10+$0x0], $0xffff  }
0x8c: {  	v55 =	vadd.s32 v28, v54  }
0x8d: {  	v56 =	vld [tilespmem:$0x290];
	_ =	sdelay $0x2  }
0x8e: {  	[tilespmem:$0x470] =	vst v41  }
0x8f: {  	v41 =	vld.idx.msk [tilespmem:v55+s12+$0x0], $0xffff  }
0x90: {  	v57 =	vadd.s32 v34, v56  }
0x91: {  	v58 =	vld [tilespmem:$0x2A0];
	_ =	sdelay $0x2  }
0x92: {  	[tilespmem:$0x480] =	vst v41  }
0x93: {  	v41 =	vld.idx.msk [tilespmem:v57+s12+$0x0], $0xffff  }
0x94: {  	v59 =	vadd.s32 v35, v58  }
0x95: {  	v60 =	vld [tilespmem:$0x2B0];
	_ =	sdelay $0x2  }
0x96: {  	[tilespmem:$0x490] =	vst v41  }
0x97: {  	v41 =	vld.idx.msk [tilespmem:v59+s12+$0x0], $0xffff  }
0x98: {  	v61 =	vadd.s32 v36, v60  }
0x99: {  	v62 =	vld [tilespmem:$0x2C0];
	_ =	sdelay $0x2  }
0x9a: {  	[tilespmem:$0x4A0] =	vst v41  }
0x9b: {  	v41 =	vld.idx.msk [tilespmem:v61+s12+$0x0], $0xffff  }
0x9c: {  	v63 =	vadd.s32 v37, v62  }
0x9d: {  	v45 =	vld [tilespmem:$0x2D0];
	_ =	sdelay $0x2  }
0x9e: {  	[tilespmem:$0x4B0] =	vst v41  }
0x9f: {  	v41 =	vld.idx.msk [tilespmem:v63+s12+$0x0], $0xffff  }
0xa0: {  	v46 =	vadd.s32 v38, v45  }
0xa1: {  	v47 =	vld [tilespmem:$0x2E0];
	_ =	sdelay $0x2  }
0xa2: {  	[tilespmem:$0x4C0] =	vst v41  }
0xa3: {  	v41 =	vld.idx.msk [tilespmem:v46+s12+$0x0], $0xffff  }
0xa4: {  	v48 =	vadd.s32 v39, v47  }
0xa5: {  	v49 =	vld [tilespmem:$0x2F0];
	_ =	sdelay $0x2  }
0xa6: {  	[tilespmem:$0x4D0] =	vst v41  }
0xa7: {  	v41 =	vld.idx.msk [tilespmem:v48+s12+$0x0], $0xffff  }
0xa8: {  	v50 =	vadd.s32 v40, v49  }
0xa9: {  	v51 =	vld [tilespmem:$0x300];
	_ =	sdelay $0x2  }
0xaa: {  	[tilespmem:$0x4E0] =	vst v41  }
0xab: {  	v41 =	vld.idx.msk [tilespmem:v50+s12+$0x0], $0xffff  }
0xac: {  	v52 =	vadd.s32 v28, v51  }
0xad: {  	v53 =	vld [tilespmem:$0x310];
	_ =	sdelay $0x2  }
0xae: {  	[tilespmem:$0x4F0] =	vst v41  }
0xaf: {  	v41 =	vld.idx.msk [tilespmem:v52+s14+$0x0], $0xffff  }
0xb0: {  	v54 =	vadd.s32 v34, v53  }
0xb1: {  	v55 =	vld [tilespmem:$0x320];
	_ =	sdelay $0x2  }
0xb2: {  	[tilespmem:$0x500] =	vst v41  }
0xb3: {  	v41 =	vld.idx.msk [tilespmem:v54+s14+$0x0], $0xffff  }
0xb4: {  	v56 =	vadd.s32 v35, v55  }
0xb5: {  	v57 =	vld [tilespmem:$0x330];
	_ =	sdelay $0x2  }
0xb6: {  	[tilespmem:$0x510] =	vst v41  }
0xb7: {  	v41 =	vld.idx.msk [tilespmem:v56+s14+$0x0], $0xffff  }
0xb8: {  	v58 =	vadd.s32 v36, v57  }
0xb9: {  	v59 =	vld [tilespmem:$0x340];
	_ =	sdelay $0x2  }
0xba: {  	[tilespmem:$0x520] =	vst v41  }
0xbb: {  	v41 =	vld.idx.msk [tilespmem:v58+s14+$0x0], $0xffff  }
0xbc: {  	v60 =	vadd.s32 v37, v59  }
0xbd: {  	v61 =	vld [tilespmem:$0x350];
	_ =	sdelay $0x2  }
0xbe: {  	[tilespmem:$0x530] =	vst v41  }
0xbf: {  	v41 =	vld.idx.msk [tilespmem:v60+s14+$0x0], $0xffff  }
0xc0: {  	v62 =	vadd.s32 v38, v61  }
0xc1: {  	v63 =	vld [tilespmem:$0x360];
	_ =	sdelay $0x2  }
0xc2: {  	[tilespmem:$0x540] =	vst v41  }
0xc3: {  	v41 =	vld.idx.msk [tilespmem:v62+s14+$0x0], $0xffff  }
0xc4: {  	v45 =	vadd.s32 v39, v63  }
0xc5: {  	v46 =	vld [tilespmem:$0x370];
	_ =	sdelay $0x2  }
0xc6: {  	[tilespmem:$0x550] =	vst v41  }
0xc7: {  	v41 =	vld.idx.msk [tilespmem:v45+s14+$0x0], $0xffff  }
0xc8: {  	v47 =	vadd.s32 v40, v46  }
0xc9: {  	v48 =	vld [tilespmem:$0x380];
	_ =	sdelay $0x2  }
0xca: {  	[tilespmem:$0x560] =	vst v41  }
0xcb: {  	v41 =	vld.idx.msk [tilespmem:v47+s14+$0x0], $0xffff  }
0xcc: {  	v49 =	vadd.s32 v28, v48  }
0xcd: {  	v50 =	vld [tilespmem:$0x390];
	_ =	sdelay $0x2  }
0xce: {  	[tilespmem:$0x570] =	vst v41  }
0xcf: {  	v41 =	vld.idx.msk [tilespmem:v49+s16+$0x0], $0xffff  }
0xd0: {  	v51 =	vadd.s32 v34, v50  }
0xd1: {  	v52 =	vld [tilespmem:$0x3A0];
	_ =	sdelay $0x2  }
0xd2: {  	[tilespmem:$0x580] =	vst v41  }
0xd3: {  	v41 =	vld.idx.msk [tilespmem:v51+s16+$0x0], $0xffff  }
0xd4: {  	v53 =	vadd.s32 v35, v52  }
0xd5: {  	v54 =	vld [tilespmem:$0x3B0];
	_ =	sdelay $0x2  }
0xd6: {  	[tilespmem:$0x590] =	vst v41  }
0xd7: {  	v41 =	vld.idx.msk [tilespmem:v53+s16+$0x0], $0xffff  }
0xd8: {  	v55 =	vadd.s32 v36, v54  }
0xd9: {  	v56 =	vld [tilespmem:$0x3C0];
	_ =	sdelay $0x2  }
0xda: {  	[tilespmem:$0x5A0] =	vst v41  }
0xdb: {  	v41 =	vld.idx.msk [tilespmem:v55+s16+$0x0], $0xffff  }
0xdc: {  	v57 =	vadd.s32 v37, v56  }
0xdd: {  	v58 =	vld [tilespmem:$0x3D0];
	_ =	sdelay $0x2  }
0xde: {  	[tilespmem:$0x5B0] =	vst v41  }
0xdf: {  	v41 =	vld.idx.msk [tilespmem:v57+s16+$0x0], $0xffff  }
0xe0: {  	v59 =	vadd.s32 v38, v58  }
0xe1: {  	v60 =	vld [tilespmem:$0x3E0];
	_ =	sdelay $0x2  }
0xe2: {  	[tilespmem:$0x5C0] =	vst v41  }
0xe3: {  	v41 =	vld.idx.msk [tilespmem:v59+s16+$0x0], $0xffff  }
0xe4: {  	v61 =	vadd.s32 v39, v60  }
0xe5: {  	v62 =	vld [tilespmem:$0x3F0];
	_ =	sdelay $0x2  }
0xe6: {  	[tilespmem:$0x5D0] =	vst v41  }
0xe7: {  	v41 =	vld.idx.msk [tilespmem:v61+s16+$0x0], $0xffff  }
0xe8: {  	v63 =	vadd.s32 v40, v62;
	_ =	sdelay $0x3  }
0xe9: {  	[tilespmem:$0x5E0] =	vst v41  }
0xea: {  	v41 =	vld.idx.msk [tilespmem:v63+s16+$0x0], $0xffff;
	_ =	sdelay $0x3  }
0xeb: {  	p0 =	sne.s32 s6, $0x1  }
.Ltmp0:
0xec: {  	[tilespmem:$0x5F0] =	vst v41;
	(pc) =	sbr.rel @p0 .LBB2_1-.Ltmp0, $4  }
0xed: {  	[hbm4b:s5+s2] =	stream.linear.scatter [tilespmem:s18], [sflag:$0x2], $0x200, $0x38;
	[tilespmem:$0x10800] =	vst v63  }
0xee: {  	_ =	swait.ge [sflag:s7], $0x200  }
0xef: {  	[sflag:s7] =	ssyncset.done $0x0  }
0xf0: {  	s6 =	sadd.s32 $0xFFFFFFFF, s6;
	[sflag:s7] =	ssyncadd.s32 $0xFFFFFE00  }
0xf1: {  	_ =	sfence.sel $0x180000  }
0xf2: {  	[bflag:$0x0] =	sbarrier.arrive $0xFFFF  }
0xf3: {  	p0 =	sne.s32 s1, $0x0;
	_ =	strace $0x90000047  }
0xf4: {  	s0 =	sadd.s32 @!p0 $0x100000, s0;
	[bflag:$0x2] =	sbarrier.arrive $0xFFFF  }
0xf5: {  	[sflag:s0] =	ssyncadd.tile.s32 @!p0 $0x1;
	_ =	shalt  }
.Lfunc_end2:
_tile_overlayer_lowered:
.L_overlay_start_2:
0xf6: {  	(tag) =	ssettag $0x2  }
0xf7: {  	s0 =	rddreg [dreg:$0x0];
	s2 =	stileid.u32  }
0xf8: {  	s1 =	rddreg [dreg:$0x1];
	p0 =	sne.s32 s2, $0x0  }
0xf9: {  	s3 =	rddreg [dreg:$0x2];
	[bflag:$0x3] =	sbarrier.arrive $0xFFFF;
	s2 =	simm.s32 @!p0 $0x1C02  }
0xfa: {  	[timem:s3], [sflag:s2] =	dma.local @!p0 [hbm:s0], s1  }
0xfb: {  	s0 =	simm.s32 @!p0 $0x2  }
0xfc: {  	_ =	swait.ge @!p0 [sflag:s0], s1  }
0xfd: {  	s1 =	ssub.s32 @!p0 $0x0, s1;
	[sflag:s0] =	ssyncset.done @!p0 $0x0  }
0xfe: {  	[sflag:s0] =	ssyncadd.s32 @!p0 s1  }
0xff: {  	[bflag:$0x3] =	sbarrier.arrive $0xFFFF  }
0x100: {  	_ =	shalt  }

</sc_bundles>
